<compile_context>
chip_gen: v7x
topology: tpu7x:2x2x1
jax: 0.10.2.dev20260603
libtpu: 0.0.44.dev20260713+nightly
codegen_flags: <defaults>
</compile_context>

<pallas_src>
import jax
import jax.numpy as jnp
from jax import lax
from jax.experimental import pallas as pl
from jax.experimental.pallas import tpu as pltpu
from jax.experimental.pallas import tpu_sc as plsc

NC = 2
NS = 16
L = 16
NW = NC * NS

CHUNK = 16384
NBUF = 3

_GATHER_DNUMS = lax.GatherDimensionNumbers(
    offset_dims=(), collapsed_slice_dims=(0,), start_index_map=(0,)
)


def _vgather(table, idx):
    return lax.gather(
        table,
        idx[:, None],
        _GATHER_DNUMS,
        slice_sizes=(1,),
        mode=lax.GatherScatterMode.PROMISE_IN_BOUNDS,
    )


def _body(x_hbm, g_hbm, c_hbm, s_hbm, out_hbm,
          xb0, xb1, xb2, gb0, gb1, gb2, cv, iv,
          sin0, sin1, sin2, sout0, sout1, sout2):
    n = x_hbm.shape[0]
    per_w = n // NW
    chunk = CHUNK if per_w >= CHUNK else per_w
    nchunk = per_w // chunk
    nvec = chunk // L

    wid = lax.axis_index("s") * NC + lax.axis_index("c")
    base = wid * per_w

    pltpu.sync_copy(c_hbm, cv)
    pltpu.sync_copy(s_hbm, iv)
    cvec = cv[...]
    avec = 1.0 / iv[...]

    xbufs = (xb0, xb1, xb2)
    gbufs = (gb0, gb1, gb2)
    sins = (sin0, sin1, sin2)
    souts = (sout0, sout1, sout2)
    nb = min(NBUF, nchunk)

    def start_loads(k):
        b = k % nb
        off = base + k * chunk
        dx = pltpu.async_copy(x_hbm.at[pl.ds(off, chunk)], xbufs[b], sins[b])
        dg = pltpu.async_copy(g_hbm.at[pl.ds(off, chunk)], gbufs[b], sins[b])
        return dx, dg

    loads = {}
    stores = {}
    for k in range(min(nb - 1, nchunk)):
        loads[k] = start_loads(k)
    for k in range(nchunk):
        b = k % nb
        if k + nb - 1 < nchunk:
            if k - 1 >= 0:
                stores.pop(k - 1).wait()
            loads[k + nb - 1] = start_loads(k + nb - 1)
        dx, dg = loads.pop(k)
        dx.wait()
        dg.wait()

        xbuf = xbufs[b]
        gbuf = gbufs[b]

        @plsc.parallel_loop(0, nvec, unroll=8)
        def _(i):
            j = pl.multiple_of(i * L, L)
            idx = gbuf[pl.ds(j, L)] - 1
            c = _vgather(cvec, idx)
            a = _vgather(avec, idx)
            xbuf[pl.ds(j, L)] = (xbuf[pl.ds(j, L)] - c) * a

        off = base + k * chunk
        stores[k] = pltpu.async_copy(
            xbuf, out_hbm.at[pl.ds(off, chunk)], souts[b])
    for k in sorted(stores):
        stores.pop(k).wait()


def kernel(x, group, centers, scales):
    n = x.shape[0]
    chunk = CHUNK if n // NW >= CHUNK else n // NW
    run = pl.kernel(
        _body,
        out_type=jax.ShapeDtypeStruct((n,), jnp.float32),
        mesh=plsc.VectorSubcoreMesh(core_axis_name="c", subcore_axis_name="s"),
        scratch_types=[
            pltpu.VMEM((chunk,), jnp.float32),
            pltpu.VMEM((chunk,), jnp.float32),
            pltpu.VMEM((chunk,), jnp.float32),
            pltpu.VMEM((chunk,), jnp.int32),
            pltpu.VMEM((chunk,), jnp.int32),
            pltpu.VMEM((chunk,), jnp.int32),
            pltpu.VMEM((L,), jnp.float32),
            pltpu.VMEM((L,), jnp.float32),
            pltpu.SemaphoreType.DMA,
            pltpu.SemaphoreType.DMA,
            pltpu.SemaphoreType.DMA,
            pltpu.SemaphoreType.DMA,
            pltpu.SemaphoreType.DMA,
            pltpu.SemaphoreType.DMA,
        ],
    )
    return run(x, group, centers, scales)

# --- scband reference (transcript-rebuilt; emitter-appended) ---
"""Pipeline reference for scband-cont-transformer-standardize-grouped-17008070492785 (READ-ONLY COPY).

The authoritative reference and input builder live on the scoring server;
editing this copy changes nothing except your own understanding.
"""

import jax, jax.numpy as jnp
import numpy as np

N = 4194304
G = 16

def _init_stats():
    # Reproduce the constructor's per-group mean/std fitting on the calibration data
    init_x = np.concatenate([g + np.arange(8) * 0.5 for g in range(1, G + 1)]).astype(np.float64)
    init_group = np.repeat(np.arange(1, G + 1), 8)
    centers = np.array([init_x[init_group == g].mean() for g in range(1, G + 1)], dtype=np.float32)
    scales = np.array([init_x[init_group == g].std(ddof=1) for g in range(1, G + 1)], dtype=np.float32)
    return centers, scales

def setup_inputs(seed: int = 0) -> dict:
    key = jax.random.key(seed)
    k1, k2 = jax.random.split(key)
    x = jax.random.normal(k1, (N,), dtype=jnp.float32) * 3.0 + 5.0
    # group ids are 1-based in the original module (forward indexes with group - 1)
    group = jax.random.randint(k2, (N,), 1, G + 1, dtype=jnp.int32)
    centers_np, scales_np = _init_stats()
    return {
        "x": x,
        "group": group,
        "centers": jnp.asarray(centers_np),
        "scales": jnp.asarray(scales_np),
    }

def reference(x, group, centers, scales):
    idx = group - 1
    c = jnp.take(centers, idx, axis=0)
    s = jnp.take(scales, idx, axis=0)
    out = (x - c) / s
    return out.astype(jnp.float32)

if __name__ == "__main__":
    import jax
    _d = setup_inputs()
    print(jax.jit(kernel)(*tuple(_d.values())))

</pallas_src>

<mosaic_0001>
#map = affine_map<(d0, d1) -> (0)>
module attributes {stable_mosaic.version = 14 : i64} {
  func.func @_body(%arg0: i32, %arg1: i32, %arg2: memref<4194304xf32, #tpu.memory_space<hbm>>, %arg3: memref<4194304xi32, #tpu.memory_space<hbm>>, %arg4: memref<16xf32, #tpu.memory_space<hbm>>, %arg5: memref<16xf32, #tpu.memory_space<hbm>>, %arg6: memref<4194304xf32, #tpu.memory_space<hbm>>, %arg7: memref<16384xf32, #tpu.memory_space<vmem>>, %arg8: memref<16384xf32, #tpu.memory_space<vmem>>, %arg9: memref<16384xf32, #tpu.memory_space<vmem>>, %arg10: memref<16384xi32, #tpu.memory_space<vmem>>, %arg11: memref<16384xi32, #tpu.memory_space<vmem>>, %arg12: memref<16384xi32, #tpu.memory_space<vmem>>, %arg13: memref<16xf32, #tpu.memory_space<vmem>>, %arg14: memref<16xf32, #tpu.memory_space<vmem>>, %arg15: memref<!tpu.dma_semaphore, #tpu.memory_space<semaphore_mem>>, %arg16: memref<!tpu.dma_semaphore, #tpu.memory_space<semaphore_mem>>, %arg17: memref<!tpu.dma_semaphore, #tpu.memory_space<semaphore_mem>>, %arg18: memref<!tpu.dma_semaphore, #tpu.memory_space<semaphore_mem>>, %arg19: memref<!tpu.dma_semaphore, #tpu.memory_space<semaphore_mem>>, %arg20: memref<!tpu.dma_semaphore, #tpu.memory_space<semaphore_mem>>) attributes {dimension_semantics = [#tpu.dimension_semantics<core_parallel>, #tpu.dimension_semantics<subcore_parallel>], iteration_bounds = array<i64: 2, 16>, scalar_prefetch = 0 : i64, scratch_operands = 14 : i64, tpu.core_type = #tpu.core_type<sc_vector_subcore>, window_params = [{transform_indices = #map}, {transform_indices = #map}, {transform_indices = #map}, {transform_indices = #map}, {transform_indices = #map}]} {
    %mul3A = arith.constant 2 : i32
    %mul3A_0 = arith.muli %arg1, %mul3A : i32
    %add3A = arith.addi %mul3A_0, %arg0 : i32
    %mul3A_1 = arith.constant 131072 : i32
    %mul3A_2 = arith.muli %add3A, %mul3A_1 : i32
    "tpu.region"() ({
      %run_scoped3A = tpu.sem_alloc : memref<!tpu.dma_semaphore, #tpu.memory_space<semaphore_mem>>
      tpu.enqueue_dma source(%arg4 : memref<16xf32, #tpu.memory_space<hbm>>) target(%arg13 : memref<16xf32, #tpu.memory_space<vmem>>) target_semaphore(%run_scoped3A : memref<!tpu.dma_semaphore, #tpu.memory_space<semaphore_mem>>)
      tpu.wait_dma2 semaphore(%run_scoped3A : memref<!tpu.dma_semaphore, #tpu.memory_space<semaphore_mem>>) src(%arg4 : memref<16xf32, #tpu.memory_space<hbm>>) dst(%arg13 : memref<16xf32, #tpu.memory_space<vmem>>)
      tpu.yield
    }) : () -> ()
    "tpu.region"() ({
      %run_scoped3A = tpu.sem_alloc : memref<!tpu.dma_semaphore, #tpu.memory_space<semaphore_mem>>
      tpu.enqueue_dma source(%arg5 : memref<16xf32, #tpu.memory_space<hbm>>) target(%arg14 : memref<16xf32, #tpu.memory_space<vmem>>) target_semaphore(%run_scoped3A : memref<!tpu.dma_semaphore, #tpu.memory_space<semaphore_mem>>)
      tpu.wait_dma2 semaphore(%run_scoped3A : memref<!tpu.dma_semaphore, #tpu.memory_space<semaphore_mem>>) src(%arg5 : memref<16xf32, #tpu.memory_space<hbm>>) dst(%arg14 : memref<16xf32, #tpu.memory_space<vmem>>)
      tpu.yield
    }) : () -> ()
    %get3A = arith.constant 0 : index
    %get3A_3 = tpu.vector_load %arg13[%get3A] {strides = array<i32>} : memref<16xf32, #tpu.memory_space<vmem>>, vector<16xf32>,
    %get3A_4 = vector.shape_cast %get3A_3 : vector<16xf32> to vector<16xf32>
    %get3A_5 = arith.constant 0 : index
    %get3A_6 = tpu.vector_load %arg14[%get3A_5] {strides = array<i32>} : memref<16xf32, #tpu.memory_space<vmem>>, vector<16xf32>,
    %get3A_7 = vector.shape_cast %get3A_6 : vector<16xf32> to vector<16xf32>
    %div3A = arith.constant 1.000000e+00 : f32
    %div3A_8 = vector.broadcast %div3A : f32 to vector<16xf32>
    %div3A_9 = arith.divf %div3A_8, %get3A_7 : vector<16xf32>
    %add3A_10 = arith.constant 0 : i32
    %add3A_11 = arith.addi %mul3A_2, %add3A_10 : i32
    %dma_start3A = tpu.memref_slice %arg2[%add3A_11] : memref<4194304xf32, #tpu.memory_space<hbm>> -> memref<16384xf32, #tpu.memory_space<hbm>>
    %dma_start3A_12 = tpu.memref_slice %arg2[%add3A_11] : memref<4194304xf32, #tpu.memory_space<hbm>> -> memref<16384xf32, #tpu.memory_space<hbm>>
    tpu.enqueue_dma source(%dma_start3A_12 : memref<16384xf32, #tpu.memory_space<hbm>>) target(%arg7 : memref<16384xf32, #tpu.memory_space<vmem>>) target_semaphore(%arg15 : memref<!tpu.dma_semaphore, #tpu.memory_space<semaphore_mem>>)
    %dma_start3A_13 = tpu.memref_slice %arg3[%add3A_11] : memref<4194304xi32, #tpu.memory_space<hbm>> -> memref<16384xi32, #tpu.memory_space<hbm>>
    %dma_start3A_14 = tpu.memref_slice %arg3[%add3A_11] : memref<4194304xi32, #tpu.memory_space<hbm>> -> memref<16384xi32, #tpu.memory_space<hbm>>
    tpu.enqueue_dma source(%dma_start3A_14 : memref<16384xi32, #tpu.memory_space<hbm>>) target(%arg10 : memref<16384xi32, #tpu.memory_space<vmem>>) target_semaphore(%arg15 : memref<!tpu.dma_semaphore, #tpu.memory_space<semaphore_mem>>)
    %add3A_15 = arith.constant 16384 : i32
    %add3A_16 = arith.addi %mul3A_2, %add3A_15 : i32
    %dma_start3A_17 = tpu.memref_slice %arg2[%add3A_16] : memref<4194304xf32, #tpu.memory_space<hbm>> -> memref<16384xf32, #tpu.memory_space<hbm>>
    %dma_start3A_18 = tpu.memref_slice %arg2[%add3A_16] : memref<4194304xf32, #tpu.memory_space<hbm>> -> memref<16384xf32, #tpu.memory_space<hbm>>
    tpu.enqueue_dma source(%dma_start3A_18 : memref<16384xf32, #tpu.memory_space<hbm>>) target(%arg8 : memref<16384xf32, #tpu.memory_space<vmem>>) target_semaphore(%arg16 : memref<!tpu.dma_semaphore, #tpu.memory_space<semaphore_mem>>)
    %dma_start3A_19 = tpu.memref_slice %arg3[%add3A_16] : memref<4194304xi32, #tpu.memory_space<hbm>> -> memref<16384xi32, #tpu.memory_space<hbm>>
    %dma_start3A_20 = tpu.memref_slice %arg3[%add3A_16] : memref<4194304xi32, #tpu.memory_space<hbm>> -> memref<16384xi32, #tpu.memory_space<hbm>>
    tpu.enqueue_dma source(%dma_start3A_20 : memref<16384xi32, #tpu.memory_space<hbm>>) target(%arg11 : memref<16384xi32, #tpu.memory_space<vmem>>) target_semaphore(%arg16 : memref<!tpu.dma_semaphore, #tpu.memory_space<semaphore_mem>>)
    %add3A_21 = arith.constant 32768 : i32
    %add3A_22 = arith.addi %mul3A_2, %add3A_21 : i32
    %dma_start3A_23 = tpu.memref_slice %arg2[%add3A_22] : memref<4194304xf32, #tpu.memory_space<hbm>> -> memref<16384xf32, #tpu.memory_space<hbm>>
    %dma_start3A_24 = tpu.memref_slice %arg2[%add3A_22] : memref<4194304xf32, #tpu.memory_space<hbm>> -> memref<16384xf32, #tpu.memory_space<hbm>>
    tpu.enqueue_dma source(%dma_start3A_24 : memref<16384xf32, #tpu.memory_space<hbm>>) target(%arg9 : memref<16384xf32, #tpu.memory_space<vmem>>) target_semaphore(%arg17 : memref<!tpu.dma_semaphore, #tpu.memory_space<semaphore_mem>>)
    %dma_start3A_25 = tpu.memref_slice %arg3[%add3A_22] : memref<4194304xi32, #tpu.memory_space<hbm>> -> memref<16384xi32, #tpu.memory_space<hbm>>
    %dma_start3A_26 = tpu.memref_slice %arg3[%add3A_22] : memref<4194304xi32, #tpu.memory_space<hbm>> -> memref<16384xi32, #tpu.memory_space<hbm>>
    tpu.enqueue_dma source(%dma_start3A_26 : memref<16384xi32, #tpu.memory_space<hbm>>) target(%arg12 : memref<16384xi32, #tpu.memory_space<vmem>>) target_semaphore(%arg17 : memref<!tpu.dma_semaphore, #tpu.memory_space<semaphore_mem>>)
    %dma_wait3A = tpu.memref_slice %arg2[%add3A_11] : memref<4194304xf32, #tpu.memory_space<hbm>> -> memref<16384xf32, #tpu.memory_space<hbm>>
    %dma_wait3A_27 = tpu.memref_slice %arg2[%add3A_11] : memref<4194304xf32, #tpu.memory_space<hbm>> -> memref<16384xf32, #tpu.memory_space<hbm>>
    tpu.wait_dma2 semaphore(%arg15 : memref<!tpu.dma_semaphore, #tpu.memory_space<semaphore_mem>>) src(%dma_wait3A_27 : memref<16384xf32, #tpu.memory_space<hbm>>) dst(%arg7 : memref<16384xf32, #tpu.memory_space<vmem>>)
    %dma_wait3A_28 = tpu.memref_slice %arg3[%add3A_11] : memref<4194304xi32, #tpu.memory_space<hbm>> -> memref<16384xi32, #tpu.memory_space<hbm>>
    %dma_wait3A_29 = tpu.memref_slice %arg3[%add3A_11] : memref<4194304xi32, #tpu.memory_space<hbm>> -> memref<16384xi32, #tpu.memory_space<hbm>>
    tpu.wait_dma2 semaphore(%arg15 : memref<!tpu.dma_semaphore, #tpu.memory_space<semaphore_mem>>) src(%dma_wait3A_29 : memref<16384xi32, #tpu.memory_space<hbm>>) dst(%arg10 : memref<16384xi32, #tpu.memory_space<vmem>>)
    %parallel_loop3A = arith.constant 0 : i32
    %parallel_loop3A_30 = arith.constant 1024 : i32
    %parallel_loop3A_31 = arith.constant 1 : i32
    scf.for %parallel_loop3A_159 = %parallel_loop3A to %parallel_loop3A_30 step %parallel_loop3A_31  : i32 {
      %parallel_loop3A_160 = arith.constant 16 : i32
      %parallel_loop3A_161 = arith.muli %parallel_loop3A_159, %parallel_loop3A_160 : i32
      %parallel_loop3A_162 = tpu.assume_multiple %parallel_loop3A_161, 16 : i32
      %parallel_loop3A_163 = arith.index_cast %parallel_loop3A_162 : i32 to index
      %parallel_loop3A_164 = tpu.vector_load %arg10[%parallel_loop3A_163] {strides = array<i32>} : memref<16384xi32, #tpu.memory_space<vmem>>, vector<16xi32>,
      %parallel_loop3A_165 = vector.shape_cast %parallel_loop3A_164 : vector<16xi32> to vector<16xi32>
      %parallel_loop3A_166 = arith.constant 1 : i32
      %parallel_loop3A_167 = vector.broadcast %parallel_loop3A_166 : i32 to vector<16xi32>
      %parallel_loop3A_168 = arith.subi %parallel_loop3A_165, %parallel_loop3A_167 : vector<16xi32>
      %parallel_loop3A_169 = vector.shape_cast %parallel_loop3A_168 : vector<16xi32> to vector<16x1xi32>
      %parallel_loop3A_170 = vector.shape_cast %parallel_loop3A_169 : vector<16x1xi32> to vector<16xi32>
      %parallel_loop3A_171 = tpu.dynamic_gather %get3A_4[%parallel_loop3A_170] in [0] : vector<16xf32>, vector<16xi32> -> vector<16xf32>
      %parallel_loop3A_172 = vector.shape_cast %parallel_loop3A_168 : vector<16xi32> to vector<16x1xi32>
      %parallel_loop3A_173 = vector.shape_cast %parallel_loop3A_172 : vector<16x1xi32> to vector<16xi32>
      %parallel_loop3A_174 = tpu.dynamic_gather %div3A_9[%parallel_loop3A_173] in [0] : vector<16xf32>, vector<16xi32> -> vector<16xf32>
      %parallel_loop3A_175 = arith.index_cast %parallel_loop3A_162 : i32 to index
      %parallel_loop3A_176 = tpu.vector_load %arg7[%parallel_loop3A_175] {strides = array<i32>} : memref<16384xf32, #tpu.memory_space<vmem>>, vector<16xf32>,
      %parallel_loop3A_177 = vector.shape_cast %parallel_loop3A_176 : vector<16xf32> to vector<16xf32>
      %parallel_loop3A_178 = arith.subf %parallel_loop3A_177, %parallel_loop3A_171 : vector<16xf32>
      %parallel_loop3A_179 = arith.mulf %parallel_loop3A_178, %parallel_loop3A_174 : vector<16xf32>
      %parallel_loop3A_180 = arith.index_cast %parallel_loop3A_162 : i32 to index
      %parallel_loop3A_181 = tpu.vector_load %arg7[%parallel_loop3A_180] {strides = array<i32>} : memref<16384xf32, #tpu.memory_space<vmem>>, vector<16xf32>,
      %parallel_loop3A_182 = vector.shape_cast %parallel_loop3A_181 : vector<16xf32> to vector<16xf32>
      %parallel_loop3A_183 = vector.shape_cast %parallel_loop3A_179 : vector<16xf32> to vector<16xf32>
      tpu.vector_store %arg7[%parallel_loop3A_180], %parallel_loop3A_183 {strides = array<i32>} : memref<16384xf32, #tpu.memory_space<vmem>>, vector<16xf32>,
    } {sc.loop_unroll_factor = 8 : i64, sc.parallel_access}
    %add3A_32 = arith.constant 0 : i32
    %add3A_33 = arith.addi %mul3A_2, %add3A_32 : i32
    %dma_start3A_34 = tpu.memref_slice %arg6[%add3A_33] : memref<4194304xf32, #tpu.memory_space<hbm>> -> memref<16384xf32, #tpu.memory_space<hbm>>
    %dma_start3A_35 = tpu.memref_slice %arg6[%add3A_33] : memref<4194304xf32, #tpu.memory_space<hbm>> -> memref<16384xf32, #tpu.memory_space<hbm>>
    tpu.enqueue_dma source(%arg7 : memref<16384xf32, #tpu.memory_space<vmem>>) target(%dma_start3A_35 : memref<16384xf32, #tpu.memory_space<hbm>>) target_semaphore(%arg18 : memref<!tpu.dma_semaphore, #tpu.memory_space<semaphore_mem>>)
    %dma_wait3A_36 = tpu.memref_slice %arg6[%add3A_33] : memref<4194304xf32, #tpu.memory_space<hbm>> -> memref<16384xf32, #tpu.memory_space<hbm>>
    %dma_wait3A_37 = tpu.memref_slice %arg6[%add3A_33] : memref<4194304xf32, #tpu.memory_space<hbm>> -> memref<16384xf32, #tpu.memory_space<hbm>>
    tpu.wait_dma2 semaphore(%arg18 : memref<!tpu.dma_semaphore, #tpu.memory_space<semaphore_mem>>) src(%arg7 : memref<16384xf32, #tpu.memory_space<vmem>>) dst(%dma_wait3A_37 : memref<16384xf32, #tpu.memory_space<hbm>>)
    %add3A_38 = arith.constant 49152 : i32
    %add3A_39 = arith.addi %mul3A_2, %add3A_38 : i32
    %dma_start3A_40 = tpu.memref_slice %arg2[%add3A_39] : memref<4194304xf32, #tpu.memory_space<hbm>> -> memref<16384xf32, #tpu.memory_space<hbm>>
    %dma_start3A_41 = tpu.memref_slice %arg2[%add3A_39] : memref<4194304xf32, #tpu.memory_space<hbm>> -> memref<16384xf32, #tpu.memory_space<hbm>>
    tpu.enqueue_dma source(%dma_start3A_41 : memref<16384xf32, #tpu.memory_space<hbm>>) target(%arg7 : memref<16384xf32, #tpu.memory_space<vmem>>) target_semaphore(%arg15 : memref<!tpu.dma_semaphore, #tpu.memory_space<semaphore_mem>>)
    %dma_start3A_42 = tpu.memref_slice %arg3[%add3A_39] : memref<4194304xi32, #tpu.memory_space<hbm>> -> memref<16384xi32, #tpu.memory_space<hbm>>
    %dma_start3A_43 = tpu.memref_slice %arg3[%add3A_39] : memref<4194304xi32, #tpu.memory_space<hbm>> -> memref<16384xi32, #tpu.memory_space<hbm>>
    tpu.enqueue_dma source(%dma_start3A_43 : memref<16384xi32, #tpu.memory_space<hbm>>) target(%arg10 : memref<16384xi32, #tpu.memory_space<vmem>>) target_semaphore(%arg15 : memref<!tpu.dma_semaphore, #tpu.memory_space<semaphore_mem>>)
    %dma_wait3A_44 = tpu.memref_slice %arg2[%add3A_16] : memref<4194304xf32, #tpu.memory_space<hbm>> -> memref<16384xf32, #tpu.memory_space<hbm>>
    %dma_wait3A_45 = tpu.memref_slice %arg2[%add3A_16] : memref<4194304xf32, #tpu.memory_space<hbm>> -> memref<16384xf32, #tpu.memory_space<hbm>>
    tpu.wait_dma2 semaphore(%arg16 : memref<!tpu.dma_semaphore, #tpu.memory_space<semaphore_mem>>) src(%dma_wait3A_45 : memref<16384xf32, #tpu.memory_space<hbm>>) dst(%arg8 : memref<16384xf32, #tpu.memory_space<vmem>>)
    %dma_wait3A_46 = tpu.memref_slice %arg3[%add3A_16] : memref<4194304xi32, #tpu.memory_space<hbm>> -> memref<16384xi32, #tpu.memory_space<hbm>>
    %dma_wait3A_47 = tpu.memref_slice %arg3[%add3A_16] : memref<4194304xi32, #tpu.memory_space<hbm>> -> memref<16384xi32, #tpu.memory_space<hbm>>
    tpu.wait_dma2 semaphore(%arg16 : memref<!tpu.dma_semaphore, #tpu.memory_space<semaphore_mem>>) src(%dma_wait3A_47 : memref<16384xi32, #tpu.memory_space<hbm>>) dst(%arg11 : memref<16384xi32, #tpu.memory_space<vmem>>)
    %parallel_loop3A_48 = arith.constant 0 : i32
    %parallel_loop3A_49 = arith.constant 1024 : i32
    %parallel_loop3A_50 = arith.constant 1 : i32
    scf.for %parallel_loop3A_159 = %parallel_loop3A_48 to %parallel_loop3A_49 step %parallel_loop3A_50  : i32 {
      %parallel_loop3A_160 = arith.constant 16 : i32
      %parallel_loop3A_161 = arith.muli %parallel_loop3A_159, %parallel_loop3A_160 : i32
      %parallel_loop3A_162 = tpu.assume_multiple %parallel_loop3A_161, 16 : i32
      %parallel_loop3A_163 = arith.index_cast %parallel_loop3A_162 : i32 to index
      %parallel_loop3A_164 = tpu.vector_load %arg11[%parallel_loop3A_163] {strides = array<i32>} : memref<16384xi32, #tpu.memory_space<vmem>>, vector<16xi32>,
      %parallel_loop3A_165 = vector.shape_cast %parallel_loop3A_164 : vector<16xi32> to vector<16xi32>
      %parallel_loop3A_166 = arith.constant 1 : i32
      %parallel_loop3A_167 = vector.broadcast %parallel_loop3A_166 : i32 to vector<16xi32>
      %parallel_loop3A_168 = arith.subi %parallel_loop3A_165, %parallel_loop3A_167 : vector<16xi32>
      %parallel_loop3A_169 = vector.shape_cast %parallel_loop3A_168 : vector<16xi32> to vector<16x1xi32>
      %parallel_loop3A_170 = vector.shape_cast %parallel_loop3A_169 : vector<16x1xi32> to vector<16xi32>
      %parallel_loop3A_171 = tpu.dynamic_gather %get3A_4[%parallel_loop3A_170] in [0] : vector<16xf32>, vector<16xi32> -> vector<16xf32>
      %parallel_loop3A_172 = vector.shape_cast %parallel_loop3A_168 : vector<16xi32> to vector<16x1xi32>
      %parallel_loop3A_173 = vector.shape_cast %parallel_loop3A_172 : vector<16x1xi32> to vector<16xi32>
      %parallel_loop3A_174 = tpu.dynamic_gather %div3A_9[%parallel_loop3A_173] in [0] : vector<16xf32>, vector<16xi32> -> vector<16xf32>
      %parallel_loop3A_175 = arith.index_cast %parallel_loop3A_162 : i32 to index
      %parallel_loop3A_176 = tpu.vector_load %arg8[%parallel_loop3A_175] {strides = array<i32>} : memref<16384xf32, #tpu.memory_space<vmem>>, vector<16xf32>,
      %parallel_loop3A_177 = vector.shape_cast %parallel_loop3A_176 : vector<16xf32> to vector<16xf32>
      %parallel_loop3A_178 = arith.subf %parallel_loop3A_177, %parallel_loop3A_171 : vector<16xf32>
      %parallel_loop3A_179 = arith.mulf %parallel_loop3A_178, %parallel_loop3A_174 : vector<16xf32>
      %parallel_loop3A_180 = arith.index_cast %parallel_loop3A_162 : i32 to index
      %parallel_loop3A_181 = tpu.vector_load %arg8[%parallel_loop3A_180] {strides = array<i32>} : memref<16384xf32, #tpu.memory_space<vmem>>, vector<16xf32>,
      %parallel_loop3A_182 = vector.shape_cast %parallel_loop3A_181 : vector<16xf32> to vector<16xf32>
      %parallel_loop3A_183 = vector.shape_cast %parallel_loop3A_179 : vector<16xf32> to vector<16xf32>
      tpu.vector_store %arg8[%parallel_loop3A_180], %parallel_loop3A_183 {strides = array<i32>} : memref<16384xf32, #tpu.memory_space<vmem>>, vector<16xf32>,
    } {sc.loop_unroll_factor = 8 : i64, sc.parallel_access}
    %add3A_51 = arith.constant 16384 : i32
    %add3A_52 = arith.addi %mul3A_2, %add3A_51 : i32
    %dma_start3A_53 = tpu.memref_slice %arg6[%add3A_52] : memref<4194304xf32, #tpu.memory_space<hbm>> -> memref<16384xf32, #tpu.memory_space<hbm>>
    %dma_start3A_54 = tpu.memref_slice %arg6[%add3A_52] : memref<4194304xf32, #tpu.memory_space<hbm>> -> memref<16384xf32, #tpu.memory_space<hbm>>
    tpu.enqueue_dma source(%arg8 : memref<16384xf32, #tpu.memory_space<vmem>>) target(%dma_start3A_54 : memref<16384xf32, #tpu.memory_space<hbm>>) target_semaphore(%arg19 : memref<!tpu.dma_semaphore, #tpu.memory_space<semaphore_mem>>)
    %dma_wait3A_55 = tpu.memref_slice %arg6[%add3A_52] : memref<4194304xf32, #tpu.memory_space<hbm>> -> memref<16384xf32, #tpu.memory_space<hbm>>
    %dma_wait3A_56 = tpu.memref_slice %arg6[%add3A_52] : memref<4194304xf32, #tpu.memory_space<hbm>> -> memref<16384xf32, #tpu.memory_space<hbm>>
    tpu.wait_dma2 semaphore(%arg19 : memref<!tpu.dma_semaphore, #tpu.memory_space<semaphore_mem>>) src(%arg8 : memref<16384xf32, #tpu.memory_space<vmem>>) dst(%dma_wait3A_56 : memref<16384xf32, #tpu.memory_space<hbm>>)
    %add3A_57 = arith.constant 65536 : i32
    %add3A_58 = arith.addi %mul3A_2, %add3A_57 : i32
    %dma_start3A_59 = tpu.memref_slice %arg2[%add3A_58] : memref<4194304xf32, #tpu.memory_space<hbm>> -> memref<16384xf32, #tpu.memory_space<hbm>>
    %dma_start3A_60 = tpu.memref_slice %arg2[%add3A_58] : memref<4194304xf32, #tpu.memory_space<hbm>> -> memref<16384xf32, #tpu.memory_space<hbm>>
    tpu.enqueue_dma source(%dma_start3A_60 : memref<16384xf32, #tpu.memory_space<hbm>>) target(%arg8 : memref<16384xf32, #tpu.memory_space<vmem>>) target_semaphore(%arg16 : memref<!tpu.dma_semaphore, #tpu.memory_space<semaphore_mem>>)
    %dma_start3A_61 = tpu.memref_slice %arg3[%add3A_58] : memref<4194304xi32, #tpu.memory_space<hbm>> -> memref<16384xi32, #tpu.memory_space<hbm>>
    %dma_start3A_62 = tpu.memref_slice %arg3[%add3A_58] : memref<4194304xi32, #tpu.memory_space<hbm>> -> memref<16384xi32, #tpu.memory_space<hbm>>
    tpu.enqueue_dma source(%dma_start3A_62 : memref<16384xi32, #tpu.memory_space<hbm>>) target(%arg11 : memref<16384xi32, #tpu.memory_space<vmem>>) target_semaphore(%arg16 : memref<!tpu.dma_semaphore, #tpu.memory_space<semaphore_mem>>)
    %dma_wait3A_63 = tpu.memref_slice %arg2[%add3A_22] : memref<4194304xf32, #tpu.memory_space<hbm>> -> memref<16384xf32, #tpu.memory_space<hbm>>
    %dma_wait3A_64 = tpu.memref_slice %arg2[%add3A_22] : memref<4194304xf32, #tpu.memory_space<hbm>> -> memref<16384xf32, #tpu.memory_space<hbm>>
    tpu.wait_dma2 semaphore(%arg17 : memref<!tpu.dma_semaphore, #tpu.memory_space<semaphore_mem>>) src(%dma_wait3A_64 : memref<16384xf32, #tpu.memory_space<hbm>>) dst(%arg9 : memref<16384xf32, #tpu.memory_space<vmem>>)
    %dma_wait3A_65 = tpu.memref_slice %arg3[%add3A_22] : memref<4194304xi32, #tpu.memory_space<hbm>> -> memref<16384xi32, #tpu.memory_space<hbm>>
    %dma_wait3A_66 = tpu.memref_slice %arg3[%add3A_22] : memref<4194304xi32, #tpu.memory_space<hbm>> -> memref<16384xi32, #tpu.memory_space<hbm>>
    tpu.wait_dma2 semaphore(%arg17 : memref<!tpu.dma_semaphore, #tpu.memory_space<semaphore_mem>>) src(%dma_wait3A_66 : memref<16384xi32, #tpu.memory_space<hbm>>) dst(%arg12 : memref<16384xi32, #tpu.memory_space<vmem>>)
    %parallel_loop3A_67 = arith.constant 0 : i32
    %parallel_loop3A_68 = arith.constant 1024 : i32
    %parallel_loop3A_69 = arith.constant 1 : i32
    scf.for %parallel_loop3A_159 = %parallel_loop3A_67 to %parallel_loop3A_68 step %parallel_loop3A_69  : i32 {
      %parallel_loop3A_160 = arith.constant 16 : i32
      %parallel_loop3A_161 = arith.muli %parallel_loop3A_159, %parallel_loop3A_160 : i32
      %parallel_loop3A_162 = tpu.assume_multiple %parallel_loop3A_161, 16 : i32
      %parallel_loop3A_163 = arith.index_cast %parallel_loop3A_162 : i32 to index
      %parallel_loop3A_164 = tpu.vector_load %arg12[%parallel_loop3A_163] {strides = array<i32>} : memref<16384xi32, #tpu.memory_space<vmem>>, vector<16xi32>,
      %parallel_loop3A_165 = vector.shape_cast %parallel_loop3A_164 : vector<16xi32> to vector<16xi32>
      %parallel_loop3A_166 = arith.constant 1 : i32
      %parallel_loop3A_167 = vector.broadcast %parallel_loop3A_166 : i32 to vector<16xi32>
      %parallel_loop3A_168 = arith.subi %parallel_loop3A_165, %parallel_loop3A_167 : vector<16xi32>
      %parallel_loop3A_169 = vector.shape_cast %parallel_loop3A_168 : vector<16xi32> to vector<16x1xi32>
      %parallel_loop3A_170 = vector.shape_cast %parallel_loop3A_169 : vector<16x1xi32> to vector<16xi32>
      %parallel_loop3A_171 = tpu.dynamic_gather %get3A_4[%parallel_loop3A_170] in [0] : vector<16xf32>, vector<16xi32> -> vector<16xf32>
      %parallel_loop3A_172 = vector.shape_cast %parallel_loop3A_168 : vector<16xi32> to vector<16x1xi32>
      %parallel_loop3A_173 = vector.shape_cast %parallel_loop3A_172 : vector<16x1xi32> to vector<16xi32>
      %parallel_loop3A_174 = tpu.dynamic_gather %div3A_9[%parallel_loop3A_173] in [0] : vector<16xf32>, vector<16xi32> -> vector<16xf32>
      %parallel_loop3A_175 = arith.index_cast %parallel_loop3A_162 : i32 to index
      %parallel_loop3A_176 = tpu.vector_load %arg9[%parallel_loop3A_175] {strides = array<i32>} : memref<16384xf32, #tpu.memory_space<vmem>>, vector<16xf32>,
      %parallel_loop3A_177 = vector.shape_cast %parallel_loop3A_176 : vector<16xf32> to vector<16xf32>
      %parallel_loop3A_178 = arith.subf %parallel_loop3A_177, %parallel_loop3A_171 : vector<16xf32>
      %parallel_loop3A_179 = arith.mulf %parallel_loop3A_178, %parallel_loop3A_174 : vector<16xf32>
      %parallel_loop3A_180 = arith.index_cast %parallel_loop3A_162 : i32 to index
      %parallel_loop3A_181 = tpu.vector_load %arg9[%parallel_loop3A_180] {strides = array<i32>} : memref<16384xf32, #tpu.memory_space<vmem>>, vector<16xf32>,
      %parallel_loop3A_182 = vector.shape_cast %parallel_loop3A_181 : vector<16xf32> to vector<16xf32>
      %parallel_loop3A_183 = vector.shape_cast %parallel_loop3A_179 : vector<16xf32> to vector<16xf32>
      tpu.vector_store %arg9[%parallel_loop3A_180], %parallel_loop3A_183 {strides = array<i32>} : memref<16384xf32, #tpu.memory_space<vmem>>, vector<16xf32>,
    } {sc.loop_unroll_factor = 8 : i64, sc.parallel_access}
    %add3A_70 = arith.constant 32768 : i32
    %add3A_71 = arith.addi %mul3A_2, %add3A_70 : i32
    %dma_start3A_72 = tpu.memref_slice %arg6[%add3A_71] : memref<4194304xf32, #tpu.memory_space<hbm>> -> memref<16384xf32, #tpu.memory_space<hbm>>
    %dma_start3A_73 = tpu.memref_slice %arg6[%add3A_71] : memref<4194304xf32, #tpu.memory_space<hbm>> -> memref<16384xf32, #tpu.memory_space<hbm>>
    tpu.enqueue_dma source(%arg9 : memref<16384xf32, #tpu.memory_space<vmem>>) target(%dma_start3A_73 : memref<16384xf32, #tpu.memory_space<hbm>>) target_semaphore(%arg20 : memref<!tpu.dma_semaphore, #tpu.memory_space<semaphore_mem>>)
    %dma_wait3A_74 = tpu.memref_slice %arg6[%add3A_71] : memref<4194304xf32, #tpu.memory_space<hbm>> -> memref<16384xf32, #tpu.memory_space<hbm>>
    %dma_wait3A_75 = tpu.memref_slice %arg6[%add3A_71] : memref<4194304xf32, #tpu.memory_space<hbm>> -> memref<16384xf32, #tpu.memory_space<hbm>>
    tpu.wait_dma2 semaphore(%arg20 : memref<!tpu.dma_semaphore, #tpu.memory_space<semaphore_mem>>) src(%arg9 : memref<16384xf32, #tpu.memory_space<vmem>>) dst(%dma_wait3A_75 : memref<16384xf32, #tpu.memory_space<hbm>>)
    %add3A_76 = arith.constant 81920 : i32
    %add3A_77 = arith.addi %mul3A_2, %add3A_76 : i32
    %dma_start3A_78 = tpu.memref_slice %arg2[%add3A_77] : memref<4194304xf32, #tpu.memory_space<hbm>> -> memref<16384xf32, #tpu.memory_space<hbm>>
    %dma_start3A_79 = tpu.memref_slice %arg2[%add3A_77] : memref<4194304xf32, #tpu.memory_space<hbm>> -> memref<16384xf32, #tpu.memory_space<hbm>>
    tpu.enqueue_dma source(%dma_start3A_79 : memref<16384xf32, #tpu.memory_space<hbm>>) target(%arg9 : memref<16384xf32, #tpu.memory_space<vmem>>) target_semaphore(%arg17 : memref<!tpu.dma_semaphore, #tpu.memory_space<semaphore_mem>>)
    %dma_start3A_80 = tpu.memref_slice %arg3[%add3A_77] : memref<4194304xi32, #tpu.memory_space<hbm>> -> memref<16384xi32, #tpu.memory_space<hbm>>
    %dma_start3A_81 = tpu.memref_slice %arg3[%add3A_77] : memref<4194304xi32, #tpu.memory_space<hbm>> -> memref<16384xi32, #tpu.memory_space<hbm>>
    tpu.enqueue_dma source(%dma_start3A_81 : memref<16384xi32, #tpu.memory_space<hbm>>) target(%arg12 : memref<16384xi32, #tpu.memory_space<vmem>>) target_semaphore(%arg17 : memref<!tpu.dma_semaphore, #tpu.memory_space<semaphore_mem>>)
    %dma_wait3A_82 = tpu.memref_slice %arg2[%add3A_39] : memref<4194304xf32, #tpu.memory_space<hbm>> -> memref<16384xf32, #tpu.memory_space<hbm>>
    %dma_wait3A_83 = tpu.memref_slice %arg2[%add3A_39] : memref<4194304xf32, #tpu.memory_space<hbm>> -> memref<16384xf32, #tpu.memory_space<hbm>>
    tpu.wait_dma2 semaphore(%arg15 : memref<!tpu.dma_semaphore, #tpu.memory_space<semaphore_mem>>) src(%dma_wait3A_83 : memref<16384xf32, #tpu.memory_space<hbm>>) dst(%arg7 : memref<16384xf32, #tpu.memory_space<vmem>>)
    %dma_wait3A_84 = tpu.memref_slice %arg3[%add3A_39] : memref<4194304xi32, #tpu.memory_space<hbm>> -> memref<16384xi32, #tpu.memory_space<hbm>>
    %dma_wait3A_85 = tpu.memref_slice %arg3[%add3A_39] : memref<4194304xi32, #tpu.memory_space<hbm>> -> memref<16384xi32, #tpu.memory_space<hbm>>
    tpu.wait_dma2 semaphore(%arg15 : memref<!tpu.dma_semaphore, #tpu.memory_space<semaphore_mem>>) src(%dma_wait3A_85 : memref<16384xi32, #tpu.memory_space<hbm>>) dst(%arg10 : memref<16384xi32, #tpu.memory_space<vmem>>)
    %parallel_loop3A_86 = arith.constant 0 : i32
    %parallel_loop3A_87 = arith.constant 1024 : i32
    %parallel_loop3A_88 = arith.constant 1 : i32
    scf.for %parallel_loop3A_159 = %parallel_loop3A_86 to %parallel_loop3A_87 step %parallel_loop3A_88  : i32 {
      %parallel_loop3A_160 = arith.constant 16 : i32
      %parallel_loop3A_161 = arith.muli %parallel_loop3A_159, %parallel_loop3A_160 : i32
      %parallel_loop3A_162 = tpu.assume_multiple %parallel_loop3A_161, 16 : i32
      %parallel_loop3A_163 = arith.index_cast %parallel_loop3A_162 : i32 to index
      %parallel_loop3A_164 = tpu.vector_load %arg10[%parallel_loop3A_163] {strides = array<i32>} : memref<16384xi32, #tpu.memory_space<vmem>>, vector<16xi32>,
      %parallel_loop3A_165 = vector.shape_cast %parallel_loop3A_164 : vector<16xi32> to vector<16xi32>
      %parallel_loop3A_166 = arith.constant 1 : i32
      %parallel_loop3A_167 = vector.broadcast %parallel_loop3A_166 : i32 to vector<16xi32>
      %parallel_loop3A_168 = arith.subi %parallel_loop3A_165, %parallel_loop3A_167 : vector<16xi32>
      %parallel_loop3A_169 = vector.shape_cast %parallel_loop3A_168 : vector<16xi32> to vector<16x1xi32>
      %parallel_loop3A_170 = vector.shape_cast %parallel_loop3A_169 : vector<16x1xi32> to vector<16xi32>
      %parallel_loop3A_171 = tpu.dynamic_gather %get3A_4[%parallel_loop3A_170] in [0] : vector<16xf32>, vector<16xi32> -> vector<16xf32>
      %parallel_loop3A_172 = vector.shape_cast %parallel_loop3A_168 : vector<16xi32> to vector<16x1xi32>
      %parallel_loop3A_173 = vector.shape_cast %parallel_loop3A_172 : vector<16x1xi32> to vector<16xi32>
      %parallel_loop3A_174 = tpu.dynamic_gather %div3A_9[%parallel_loop3A_173] in [0] : vector<16xf32>, vector<16xi32> -> vector<16xf32>
      %parallel_loop3A_175 = arith.index_cast %parallel_loop3A_162 : i32 to index
      %parallel_loop3A_176 = tpu.vector_load %arg7[%parallel_loop3A_175] {strides = array<i32>} : memref<16384xf32, #tpu.memory_space<vmem>>, vector<16xf32>,
      %parallel_loop3A_177 = vector.shape_cast %parallel_loop3A_176 : vector<16xf32> to vector<16xf32>
      %parallel_loop3A_178 = arith.subf %parallel_loop3A_177, %parallel_loop3A_171 : vector<16xf32>
      %parallel_loop3A_179 = arith.mulf %parallel_loop3A_178, %parallel_loop3A_174 : vector<16xf32>
      %parallel_loop3A_180 = arith.index_cast %parallel_loop3A_162 : i32 to index
      %parallel_loop3A_181 = tpu.vector_load %arg7[%parallel_loop3A_180] {strides = array<i32>} : memref<16384xf32, #tpu.memory_space<vmem>>, vector<16xf32>,
      %parallel_loop3A_182 = vector.shape_cast %parallel_loop3A_181 : vector<16xf32> to vector<16xf32>
      %parallel_loop3A_183 = vector.shape_cast %parallel_loop3A_179 : vector<16xf32> to vector<16xf32>
      tpu.vector_store %arg7[%parallel_loop3A_180], %parallel_loop3A_183 {strides = array<i32>} : memref<16384xf32, #tpu.memory_space<vmem>>, vector<16xf32>,
    } {sc.loop_unroll_factor = 8 : i64, sc.parallel_access}
    %add3A_89 = arith.constant 49152 : i32
    %add3A_90 = arith.addi %mul3A_2, %add3A_89 : i32
    %dma_start3A_91 = tpu.memref_slice %arg6[%add3A_90] : memref<4194304xf32, #tpu.memory_space<hbm>> -> memref<16384xf32, #tpu.memory_space<hbm>>
    %dma_start3A_92 = tpu.memref_slice %arg6[%add3A_90] : memref<4194304xf32, #tpu.memory_space<hbm>> -> memref<16384xf32, #tpu.memory_space<hbm>>
    tpu.enqueue_dma source(%arg7 : memref<16384xf32, #tpu.memory_space<vmem>>) target(%dma_start3A_92 : memref<16384xf32, #tpu.memory_space<hbm>>) target_semaphore(%arg18 : memref<!tpu.dma_semaphore, #tpu.memory_space<semaphore_mem>>)
    %dma_wait3A_93 = tpu.memref_slice %arg6[%add3A_90] : memref<4194304xf32, #tpu.memory_space<hbm>> -> memref<16384xf32, #tpu.memory_space<hbm>>
    %dma_wait3A_94 = tpu.memref_slice %arg6[%add3A_90] : memref<4194304xf32, #tpu.memory_space<hbm>> -> memref<16384xf32, #tpu.memory_space<hbm>>
    tpu.wait_dma2 semaphore(%arg18 : memref<!tpu.dma_semaphore, #tpu.memory_space<semaphore_mem>>) src(%arg7 : memref<16384xf32, #tpu.memory_space<vmem>>) dst(%dma_wait3A_94 : memref<16384xf32, #tpu.memory_space<hbm>>)
    %add3A_95 = arith.constant 98304 : i32
    %add3A_96 = arith.addi %mul3A_2, %add3A_95 : i32
    %dma_start3A_97 = tpu.memref_slice %arg2[%add3A_96] : memref<4194304xf32, #tpu.memory_space<hbm>> -> memref<16384xf32, #tpu.memory_space<hbm>>
    %dma_start3A_98 = tpu.memref_slice %arg2[%add3A_96] : memref<4194304xf32, #tpu.memory_space<hbm>> -> memref<16384xf32, #tpu.memory_space<hbm>>
    tpu.enqueue_dma source(%dma_start3A_98 : memref<16384xf32, #tpu.memory_space<hbm>>) target(%arg7 : memref<16384xf32, #tpu.memory_space<vmem>>) target_semaphore(%arg15 : memref<!tpu.dma_semaphore, #tpu.memory_space<semaphore_mem>>)
    %dma_start3A_99 = tpu.memref_slice %arg3[%add3A_96] : memref<4194304xi32, #tpu.memory_space<hbm>> -> memref<16384xi32, #tpu.memory_space<hbm>>
    %dma_start3A_100 = tpu.memref_slice %arg3[%add3A_96] : memref<4194304xi32, #tpu.memory_space<hbm>> -> memref<16384xi32, #tpu.memory_space<hbm>>
    tpu.enqueue_dma source(%dma_start3A_100 : memref<16384xi32, #tpu.memory_space<hbm>>) target(%arg10 : memref<16384xi32, #tpu.memory_space<vmem>>) target_semaphore(%arg15 : memref<!tpu.dma_semaphore, #tpu.memory_space<semaphore_mem>>)
    %dma_wait3A_101 = tpu.memref_slice %arg2[%add3A_58] : memref<4194304xf32, #tpu.memory_space<hbm>> -> memref<16384xf32, #tpu.memory_space<hbm>>
    %dma_wait3A_102 = tpu.memref_slice %arg2[%add3A_58] : memref<4194304xf32, #tpu.memory_space<hbm>> -> memref<16384xf32, #tpu.memory_space<hbm>>
    tpu.wait_dma2 semaphore(%arg16 : memref<!tpu.dma_semaphore, #tpu.memory_space<semaphore_mem>>) src(%dma_wait3A_102 : memref<16384xf32, #tpu.memory_space<hbm>>) dst(%arg8 : memref<16384xf32, #tpu.memory_space<vmem>>)
    %dma_wait3A_103 = tpu.memref_slice %arg3[%add3A_58] : memref<4194304xi32, #tpu.memory_space<hbm>> -> memref<16384xi32, #tpu.memory_space<hbm>>
    %dma_wait3A_104 = tpu.memref_slice %arg3[%add3A_58] : memref<4194304xi32, #tpu.memory_space<hbm>> -> memref<16384xi32, #tpu.memory_space<hbm>>
    tpu.wait_dma2 semaphore(%arg16 : memref<!tpu.dma_semaphore, #tpu.memory_space<semaphore_mem>>) src(%dma_wait3A_104 : memref<16384xi32, #tpu.memory_space<hbm>>) dst(%arg11 : memref<16384xi32, #tpu.memory_space<vmem>>)
    %parallel_loop3A_105 = arith.constant 0 : i32
    %parallel_loop3A_106 = arith.constant 1024 : i32
    %parallel_loop3A_107 = arith.constant 1 : i32
    scf.for %parallel_loop3A_159 = %parallel_loop3A_105 to %parallel_loop3A_106 step %parallel_loop3A_107  : i32 {
      %parallel_loop3A_160 = arith.constant 16 : i32
      %parallel_loop3A_161 = arith.muli %parallel_loop3A_159, %parallel_loop3A_160 : i32
      %parallel_loop3A_162 = tpu.assume_multiple %parallel_loop3A_161, 16 : i32
      %parallel_loop3A_163 = arith.index_cast %parallel_loop3A_162 : i32 to index
      %parallel_loop3A_164 = tpu.vector_load %arg11[%parallel_loop3A_163] {strides = array<i32>} : memref<16384xi32, #tpu.memory_space<vmem>>, vector<16xi32>,
      %parallel_loop3A_165 = vector.shape_cast %parallel_loop3A_164 : vector<16xi32> to vector<16xi32>
      %parallel_loop3A_166 = arith.constant 1 : i32
      %parallel_loop3A_167 = vector.broadcast %parallel_loop3A_166 : i32 to vector<16xi32>
      %parallel_loop3A_168 = arith.subi %parallel_loop3A_165, %parallel_loop3A_167 : vector<16xi32>
      %parallel_loop3A_169 = vector.shape_cast %parallel_loop3A_168 : vector<16xi32> to vector<16x1xi32>
      %parallel_loop3A_170 = vector.shape_cast %parallel_loop3A_169 : vector<16x1xi32> to vector<16xi32>
      %parallel_loop3A_171 = tpu.dynamic_gather %get3A_4[%parallel_loop3A_170] in [0] : vector<16xf32>, vector<16xi32> -> vector<16xf32>
      %parallel_loop3A_172 = vector.shape_cast %parallel_loop3A_168 : vector<16xi32> to vector<16x1xi32>
      %parallel_loop3A_173 = vector.shape_cast %parallel_loop3A_172 : vector<16x1xi32> to vector<16xi32>
      %parallel_loop3A_174 = tpu.dynamic_gather %div3A_9[%parallel_loop3A_173] in [0] : vector<16xf32>, vector<16xi32> -> vector<16xf32>
      %parallel_loop3A_175 = arith.index_cast %parallel_loop3A_162 : i32 to index
      %parallel_loop3A_176 = tpu.vector_load %arg8[%parallel_loop3A_175] {strides = array<i32>} : memref<16384xf32, #tpu.memory_space<vmem>>, vector<16xf32>,
      %parallel_loop3A_177 = vector.shape_cast %parallel_loop3A_176 : vector<16xf32> to vector<16xf32>
      %parallel_loop3A_178 = arith.subf %parallel_loop3A_177, %parallel_loop3A_171 : vector<16xf32>
      %parallel_loop3A_179 = arith.mulf %parallel_loop3A_178, %parallel_loop3A_174 : vector<16xf32>
      %parallel_loop3A_180 = arith.index_cast %parallel_loop3A_162 : i32 to index
      %parallel_loop3A_181 = tpu.vector_load %arg8[%parallel_loop3A_180] {strides = array<i32>} : memref<16384xf32, #tpu.memory_space<vmem>>, vector<16xf32>,
      %parallel_loop3A_182 = vector.shape_cast %parallel_loop3A_181 : vector<16xf32> to vector<16xf32>
      %parallel_loop3A_183 = vector.shape_cast %parallel_loop3A_179 : vector<16xf32> to vector<16xf32>
      tpu.vector_store %arg8[%parallel_loop3A_180], %parallel_loop3A_183 {strides = array<i32>} : memref<16384xf32, #tpu.memory_space<vmem>>, vector<16xf32>,
    } {sc.loop_unroll_factor = 8 : i64, sc.parallel_access}
    %add3A_108 = arith.constant 65536 : i32
    %add3A_109 = arith.addi %mul3A_2, %add3A_108 : i32
    %dma_start3A_110 = tpu.memref_slice %arg6[%add3A_109] : memref<4194304xf32, #tpu.memory_space<hbm>> -> memref<16384xf32, #tpu.memory_space<hbm>>
    %dma_start3A_111 = tpu.memref_slice %arg6[%add3A_109] : memref<4194304xf32, #tpu.memory_space<hbm>> -> memref<16384xf32, #tpu.memory_space<hbm>>
    tpu.enqueue_dma source(%arg8 : memref<16384xf32, #tpu.memory_space<vmem>>) target(%dma_start3A_111 : memref<16384xf32, #tpu.memory_space<hbm>>) target_semaphore(%arg19 : memref<!tpu.dma_semaphore, #tpu.memory_space<semaphore_mem>>)
    %dma_wait3A_112 = tpu.memref_slice %arg6[%add3A_109] : memref<4194304xf32, #tpu.memory_space<hbm>> -> memref<16384xf32, #tpu.memory_space<hbm>>
    %dma_wait3A_113 = tpu.memref_slice %arg6[%add3A_109] : memref<4194304xf32, #tpu.memory_space<hbm>> -> memref<16384xf32, #tpu.memory_space<hbm>>
    tpu.wait_dma2 semaphore(%arg19 : memref<!tpu.dma_semaphore, #tpu.memory_space<semaphore_mem>>) src(%arg8 : memref<16384xf32, #tpu.memory_space<vmem>>) dst(%dma_wait3A_113 : memref<16384xf32, #tpu.memory_space<hbm>>)
    %add3A_114 = arith.constant 114688 : i32
    %add3A_115 = arith.addi %mul3A_2, %add3A_114 : i32
    %dma_start3A_116 = tpu.memref_slice %arg2[%add3A_115] : memref<4194304xf32, #tpu.memory_space<hbm>> -> memref<16384xf32, #tpu.memory_space<hbm>>
    %dma_start3A_117 = tpu.memref_slice %arg2[%add3A_115] : memref<4194304xf32, #tpu.memory_space<hbm>> -> memref<16384xf32, #tpu.memory_space<hbm>>
    tpu.enqueue_dma source(%dma_start3A_117 : memref<16384xf32, #tpu.memory_space<hbm>>) target(%arg8 : memref<16384xf32, #tpu.memory_space<vmem>>) target_semaphore(%arg16 : memref<!tpu.dma_semaphore, #tpu.memory_space<semaphore_mem>>)
    %dma_start3A_118 = tpu.memref_slice %arg3[%add3A_115] : memref<4194304xi32, #tpu.memory_space<hbm>> -> memref<16384xi32, #tpu.memory_space<hbm>>
    %dma_start3A_119 = tpu.memref_slice %arg3[%add3A_115] : memref<4194304xi32, #tpu.memory_space<hbm>> -> memref<16384xi32, #tpu.memory_space<hbm>>
    tpu.enqueue_dma source(%dma_start3A_119 : memref<16384xi32, #tpu.memory_space<hbm>>) target(%arg11 : memref<16384xi32, #tpu.memory_space<vmem>>) target_semaphore(%arg16 : memref<!tpu.dma_semaphore, #tpu.memory_space<semaphore_mem>>)
    %dma_wait3A_120 = tpu.memref_slice %arg2[%add3A_77] : memref<4194304xf32, #tpu.memory_space<hbm>> -> memref<16384xf32, #tpu.memory_space<hbm>>
    %dma_wait3A_121 = tpu.memref_slice %arg2[%add3A_77] : memref<4194304xf32, #tpu.memory_space<hbm>> -> memref<16384xf32, #tpu.memory_space<hbm>>
    tpu.wait_dma2 semaphore(%arg17 : memref<!tpu.dma_semaphore, #tpu.memory_space<semaphore_mem>>) src(%dma_wait3A_121 : memref<16384xf32, #tpu.memory_space<hbm>>) dst(%arg9 : memref<16384xf32, #tpu.memory_space<vmem>>)
    %dma_wait3A_122 = tpu.memref_slice %arg3[%add3A_77] : memref<4194304xi32, #tpu.memory_space<hbm>> -> memref<16384xi32, #tpu.memory_space<hbm>>
    %dma_wait3A_123 = tpu.memref_slice %arg3[%add3A_77] : memref<4194304xi32, #tpu.memory_space<hbm>> -> memref<16384xi32, #tpu.memory_space<hbm>>
    tpu.wait_dma2 semaphore(%arg17 : memref<!tpu.dma_semaphore, #tpu.memory_space<semaphore_mem>>) src(%dma_wait3A_123 : memref<16384xi32, #tpu.memory_space<hbm>>) dst(%arg12 : memref<16384xi32, #tpu.memory_space<vmem>>)
    %parallel_loop3A_124 = arith.constant 0 : i32
    %parallel_loop3A_125 = arith.constant 1024 : i32
    %parallel_loop3A_126 = arith.constant 1 : i32
    scf.for %parallel_loop3A_159 = %parallel_loop3A_124 to %parallel_loop3A_125 step %parallel_loop3A_126  : i32 {
      %parallel_loop3A_160 = arith.constant 16 : i32
      %parallel_loop3A_161 = arith.muli %parallel_loop3A_159, %parallel_loop3A_160 : i32
      %parallel_loop3A_162 = tpu.assume_multiple %parallel_loop3A_161, 16 : i32
      %parallel_loop3A_163 = arith.index_cast %parallel_loop3A_162 : i32 to index
      %parallel_loop3A_164 = tpu.vector_load %arg12[%parallel_loop3A_163] {strides = array<i32>} : memref<16384xi32, #tpu.memory_space<vmem>>, vector<16xi32>,
      %parallel_loop3A_165 = vector.shape_cast %parallel_loop3A_164 : vector<16xi32> to vector<16xi32>
      %parallel_loop3A_166 = arith.constant 1 : i32
      %parallel_loop3A_167 = vector.broadcast %parallel_loop3A_166 : i32 to vector<16xi32>
      %parallel_loop3A_168 = arith.subi %parallel_loop3A_165, %parallel_loop3A_167 : vector<16xi32>
      %parallel_loop3A_169 = vector.shape_cast %parallel_loop3A_168 : vector<16xi32> to vector<16x1xi32>
      %parallel_loop3A_170 = vector.shape_cast %parallel_loop3A_169 : vector<16x1xi32> to vector<16xi32>
      %parallel_loop3A_171 = tpu.dynamic_gather %get3A_4[%parallel_loop3A_170] in [0] : vector<16xf32>, vector<16xi32> -> vector<16xf32>
      %parallel_loop3A_172 = vector.shape_cast %parallel_loop3A_168 : vector<16xi32> to vector<16x1xi32>
      %parallel_loop3A_173 = vector.shape_cast %parallel_loop3A_172 : vector<16x1xi32> to vector<16xi32>
      %parallel_loop3A_174 = tpu.dynamic_gather %div3A_9[%parallel_loop3A_173] in [0] : vector<16xf32>, vector<16xi32> -> vector<16xf32>
      %parallel_loop3A_175 = arith.index_cast %parallel_loop3A_162 : i32 to index
      %parallel_loop3A_176 = tpu.vector_load %arg9[%parallel_loop3A_175] {strides = array<i32>} : memref<16384xf32, #tpu.memory_space<vmem>>, vector<16xf32>,
      %parallel_loop3A_177 = vector.shape_cast %parallel_loop3A_176 : vector<16xf32> to vector<16xf32>
      %parallel_loop3A_178 = arith.subf %parallel_loop3A_177, %parallel_loop3A_171 : vector<16xf32>
      %parallel_loop3A_179 = arith.mulf %parallel_loop3A_178, %parallel_loop3A_174 : vector<16xf32>
      %parallel_loop3A_180 = arith.index_cast %parallel_loop3A_162 : i32 to index
      %parallel_loop3A_181 = tpu.vector_load %arg9[%parallel_loop3A_180] {strides = array<i32>} : memref<16384xf32, #tpu.memory_space<vmem>>, vector<16xf32>,
      %parallel_loop3A_182 = vector.shape_cast %parallel_loop3A_181 : vector<16xf32> to vector<16xf32>
      %parallel_loop3A_183 = vector.shape_cast %parallel_loop3A_179 : vector<16xf32> to vector<16xf32>
      tpu.vector_store %arg9[%parallel_loop3A_180], %parallel_loop3A_183 {strides = array<i32>} : memref<16384xf32, #tpu.memory_space<vmem>>, vector<16xf32>,
    } {sc.loop_unroll_factor = 8 : i64, sc.parallel_access}
    %add3A_127 = arith.constant 81920 : i32
    %add3A_128 = arith.addi %mul3A_2, %add3A_127 : i32
    %dma_start3A_129 = tpu.memref_slice %arg6[%add3A_128] : memref<4194304xf32, #tpu.memory_space<hbm>> -> memref<16384xf32, #tpu.memory_space<hbm>>
    %dma_start3A_130 = tpu.memref_slice %arg6[%add3A_128] : memref<4194304xf32, #tpu.memory_space<hbm>> -> memref<16384xf32, #tpu.memory_space<hbm>>
    tpu.enqueue_dma source(%arg9 : memref<16384xf32, #tpu.memory_space<vmem>>) target(%dma_start3A_130 : memref<16384xf32, #tpu.memory_space<hbm>>) target_semaphore(%arg20 : memref<!tpu.dma_semaphore, #tpu.memory_space<semaphore_mem>>)
    %dma_wait3A_131 = tpu.memref_slice %arg2[%add3A_96] : memref<4194304xf32, #tpu.memory_space<hbm>> -> memref<16384xf32, #tpu.memory_space<hbm>>
    %dma_wait3A_132 = tpu.memref_slice %arg2[%add3A_96] : memref<4194304xf32, #tpu.memory_space<hbm>> -> memref<16384xf32, #tpu.memory_space<hbm>>
    tpu.wait_dma2 semaphore(%arg15 : memref<!tpu.dma_semaphore, #tpu.memory_space<semaphore_mem>>) src(%dma_wait3A_132 : memref<16384xf32, #tpu.memory_space<hbm>>) dst(%arg7 : memref<16384xf32, #tpu.memory_space<vmem>>)
    %dma_wait3A_133 = tpu.memref_slice %arg3[%add3A_96] : memref<4194304xi32, #tpu.memory_space<hbm>> -> memref<16384xi32, #tpu.memory_space<hbm>>
    %dma_wait3A_134 = tpu.memref_slice %arg3[%add3A_96] : memref<4194304xi32, #tpu.memory_space<hbm>> -> memref<16384xi32, #tpu.memory_space<hbm>>
    tpu.wait_dma2 semaphore(%arg15 : memref<!tpu.dma_semaphore, #tpu.memory_space<semaphore_mem>>) src(%dma_wait3A_134 : memref<16384xi32, #tpu.memory_space<hbm>>) dst(%arg10 : memref<16384xi32, #tpu.memory_space<vmem>>)
    %parallel_loop3A_135 = arith.constant 0 : i32
    %parallel_loop3A_136 = arith.constant 1024 : i32
    %parallel_loop3A_137 = arith.constant 1 : i32
    scf.for %parallel_loop3A_159 = %parallel_loop3A_135 to %parallel_loop3A_136 step %parallel_loop3A_137  : i32 {
      %parallel_loop3A_160 = arith.constant 16 : i32
      %parallel_loop3A_161 = arith.muli %parallel_loop3A_159, %parallel_loop3A_160 : i32
      %parallel_loop3A_162 = tpu.assume_multiple %parallel_loop3A_161, 16 : i32
      %parallel_loop3A_163 = arith.index_cast %parallel_loop3A_162 : i32 to index
      %parallel_loop3A_164 = tpu.vector_load %arg10[%parallel_loop3A_163] {strides = array<i32>} : memref<16384xi32, #tpu.memory_space<vmem>>, vector<16xi32>,
      %parallel_loop3A_165 = vector.shape_cast %parallel_loop3A_164 : vector<16xi32> to vector<16xi32>
      %parallel_loop3A_166 = arith.constant 1 : i32
      %parallel_loop3A_167 = vector.broadcast %parallel_loop3A_166 : i32 to vector<16xi32>
      %parallel_loop3A_168 = arith.subi %parallel_loop3A_165, %parallel_loop3A_167 : vector<16xi32>
      %parallel_loop3A_169 = vector.shape_cast %parallel_loop3A_168 : vector<16xi32> to vector<16x1xi32>
      %parallel_loop3A_170 = vector.shape_cast %parallel_loop3A_169 : vector<16x1xi32> to vector<16xi32>
      %parallel_loop3A_171 = tpu.dynamic_gather %get3A_4[%parallel_loop3A_170] in [0] : vector<16xf32>, vector<16xi32> -> vector<16xf32>
      %parallel_loop3A_172 = vector.shape_cast %parallel_loop3A_168 : vector<16xi32> to vector<16x1xi32>
      %parallel_loop3A_173 = vector.shape_cast %parallel_loop3A_172 : vector<16x1xi32> to vector<16xi32>
      %parallel_loop3A_174 = tpu.dynamic_gather %div3A_9[%parallel_loop3A_173] in [0] : vector<16xf32>, vector<16xi32> -> vector<16xf32>
      %parallel_loop3A_175 = arith.index_cast %parallel_loop3A_162 : i32 to index
      %parallel_loop3A_176 = tpu.vector_load %arg7[%parallel_loop3A_175] {strides = array<i32>} : memref<16384xf32, #tpu.memory_space<vmem>>, vector<16xf32>,
      %parallel_loop3A_177 = vector.shape_cast %parallel_loop3A_176 : vector<16xf32> to vector<16xf32>
      %parallel_loop3A_178 = arith.subf %parallel_loop3A_177, %parallel_loop3A_171 : vector<16xf32>
      %parallel_loop3A_179 = arith.mulf %parallel_loop3A_178, %parallel_loop3A_174 : vector<16xf32>
      %parallel_loop3A_180 = arith.index_cast %parallel_loop3A_162 : i32 to index
      %parallel_loop3A_181 = tpu.vector_load %arg7[%parallel_loop3A_180] {strides = array<i32>} : memref<16384xf32, #tpu.memory_space<vmem>>, vector<16xf32>,
      %parallel_loop3A_182 = vector.shape_cast %parallel_loop3A_181 : vector<16xf32> to vector<16xf32>
      %parallel_loop3A_183 = vector.shape_cast %parallel_loop3A_179 : vector<16xf32> to vector<16xf32>
      tpu.vector_store %arg7[%parallel_loop3A_180], %parallel_loop3A_183 {strides = array<i32>} : memref<16384xf32, #tpu.memory_space<vmem>>, vector<16xf32>,
    } {sc.loop_unroll_factor = 8 : i64, sc.parallel_access}
    %add3A_138 = arith.constant 98304 : i32
    %add3A_139 = arith.addi %mul3A_2, %add3A_138 : i32
    %dma_start3A_140 = tpu.memref_slice %arg6[%add3A_139] : memref<4194304xf32, #tpu.memory_space<hbm>> -> memref<16384xf32, #tpu.memory_space<hbm>>
    %dma_start3A_141 = tpu.memref_slice %arg6[%add3A_139] : memref<4194304xf32, #tpu.memory_space<hbm>> -> memref<16384xf32, #tpu.memory_space<hbm>>
    tpu.enqueue_dma source(%arg7 : memref<16384xf32, #tpu.memory_space<vmem>>) target(%dma_start3A_141 : memref<16384xf32, #tpu.memory_space<hbm>>) target_semaphore(%arg18 : memref<!tpu.dma_semaphore, #tpu.memory_space<semaphore_mem>>)
    %dma_wait3A_142 = tpu.memref_slice %arg2[%add3A_115] : memref<4194304xf32, #tpu.memory_space<hbm>> -> memref<16384xf32, #tpu.memory_space<hbm>>
    %dma_wait3A_143 = tpu.memref_slice %arg2[%add3A_115] : memref<4194304xf32, #tpu.memory_space<hbm>> -> memref<16384xf32, #tpu.memory_space<hbm>>
    tpu.wait_dma2 semaphore(%arg16 : memref<!tpu.dma_semaphore, #tpu.memory_space<semaphore_mem>>) src(%dma_wait3A_143 : memref<16384xf32, #tpu.memory_space<hbm>>) dst(%arg8 : memref<16384xf32, #tpu.memory_space<vmem>>)
    %dma_wait3A_144 = tpu.memref_slice %arg3[%add3A_115] : memref<4194304xi32, #tpu.memory_space<hbm>> -> memref<16384xi32, #tpu.memory_space<hbm>>
    %dma_wait3A_145 = tpu.memref_slice %arg3[%add3A_115] : memref<4194304xi32, #tpu.memory_space<hbm>> -> memref<16384xi32, #tpu.memory_space<hbm>>
    tpu.wait_dma2 semaphore(%arg16 : memref<!tpu.dma_semaphore, #tpu.memory_space<semaphore_mem>>) src(%dma_wait3A_145 : memref<16384xi32, #tpu.memory_space<hbm>>) dst(%arg11 : memref<16384xi32, #tpu.memory_space<vmem>>)
    %parallel_loop3A_146 = arith.constant 0 : i32
    %parallel_loop3A_147 = arith.constant 1024 : i32
    %parallel_loop3A_148 = arith.constant 1 : i32
    scf.for %parallel_loop3A_159 = %parallel_loop3A_146 to %parallel_loop3A_147 step %parallel_loop3A_148  : i32 {
      %parallel_loop3A_160 = arith.constant 16 : i32
      %parallel_loop3A_161 = arith.muli %parallel_loop3A_159, %parallel_loop3A_160 : i32
      %parallel_loop3A_162 = tpu.assume_multiple %parallel_loop3A_161, 16 : i32
      %parallel_loop3A_163 = arith.index_cast %parallel_loop3A_162 : i32 to index
      %parallel_loop3A_164 = tpu.vector_load %arg11[%parallel_loop3A_163] {strides = array<i32>} : memref<16384xi32, #tpu.memory_space<vmem>>, vector<16xi32>,
      %parallel_loop3A_165 = vector.shape_cast %parallel_loop3A_164 : vector<16xi32> to vector<16xi32>
      %parallel_loop3A_166 = arith.constant 1 : i32
      %parallel_loop3A_167 = vector.broadcast %parallel_loop3A_166 : i32 to vector<16xi32>
      %parallel_loop3A_168 = arith.subi %parallel_loop3A_165, %parallel_loop3A_167 : vector<16xi32>
      %parallel_loop3A_169 = vector.shape_cast %parallel_loop3A_168 : vector<16xi32> to vector<16x1xi32>
      %parallel_loop3A_170 = vector.shape_cast %parallel_loop3A_169 : vector<16x1xi32> to vector<16xi32>
      %parallel_loop3A_171 = tpu.dynamic_gather %get3A_4[%parallel_loop3A_170] in [0] : vector<16xf32>, vector<16xi32> -> vector<16xf32>
      %parallel_loop3A_172 = vector.shape_cast %parallel_loop3A_168 : vector<16xi32> to vector<16x1xi32>
      %parallel_loop3A_173 = vector.shape_cast %parallel_loop3A_172 : vector<16x1xi32> to vector<16xi32>
      %parallel_loop3A_174 = tpu.dynamic_gather %div3A_9[%parallel_loop3A_173] in [0] : vector<16xf32>, vector<16xi32> -> vector<16xf32>
      %parallel_loop3A_175 = arith.index_cast %parallel_loop3A_162 : i32 to index
      %parallel_loop3A_176 = tpu.vector_load %arg8[%parallel_loop3A_175] {strides = array<i32>} : memref<16384xf32, #tpu.memory_space<vmem>>, vector<16xf32>,
      %parallel_loop3A_177 = vector.shape_cast %parallel_loop3A_176 : vector<16xf32> to vector<16xf32>
      %parallel_loop3A_178 = arith.subf %parallel_loop3A_177, %parallel_loop3A_171 : vector<16xf32>
      %parallel_loop3A_179 = arith.mulf %parallel_loop3A_178, %parallel_loop3A_174 : vector<16xf32>
      %parallel_loop3A_180 = arith.index_cast %parallel_loop3A_162 : i32 to index
      %parallel_loop3A_181 = tpu.vector_load %arg8[%parallel_loop3A_180] {strides = array<i32>} : memref<16384xf32, #tpu.memory_space<vmem>>, vector<16xf32>,
      %parallel_loop3A_182 = vector.shape_cast %parallel_loop3A_181 : vector<16xf32> to vector<16xf32>
      %parallel_loop3A_183 = vector.shape_cast %parallel_loop3A_179 : vector<16xf32> to vector<16xf32>
      tpu.vector_store %arg8[%parallel_loop3A_180], %parallel_loop3A_183 {strides = array<i32>} : memref<16384xf32, #tpu.memory_space<vmem>>, vector<16xf32>,
    } {sc.loop_unroll_factor = 8 : i64, sc.parallel_access}
    %add3A_149 = arith.constant 114688 : i32
    %add3A_150 = arith.addi %mul3A_2, %add3A_149 : i32
    %dma_start3A_151 = tpu.memref_slice %arg6[%add3A_150] : memref<4194304xf32, #tpu.memory_space<hbm>> -> memref<16384xf32, #tpu.memory_space<hbm>>
    %dma_start3A_152 = tpu.memref_slice %arg6[%add3A_150] : memref<4194304xf32, #tpu.memory_space<hbm>> -> memref<16384xf32, #tpu.memory_space<hbm>>
    tpu.enqueue_dma source(%arg8 : memref<16384xf32, #tpu.memory_space<vmem>>) target(%dma_start3A_152 : memref<16384xf32, #tpu.memory_space<hbm>>) target_semaphore(%arg19 : memref<!tpu.dma_semaphore, #tpu.memory_space<semaphore_mem>>)
    %dma_wait3A_153 = tpu.memref_slice %arg6[%add3A_128] : memref<4194304xf32, #tpu.memory_space<hbm>> -> memref<16384xf32, #tpu.memory_space<hbm>>
    %dma_wait3A_154 = tpu.memref_slice %arg6[%add3A_128] : memref<4194304xf32, #tpu.memory_space<hbm>> -> memref<16384xf32, #tpu.memory_space<hbm>>
    tpu.wait_dma2 semaphore(%arg20 : memref<!tpu.dma_semaphore, #tpu.memory_space<semaphore_mem>>) src(%arg9 : memref<16384xf32, #tpu.memory_space<vmem>>) dst(%dma_wait3A_154 : memref<16384xf32, #tpu.memory_space<hbm>>)
    %dma_wait3A_155 = tpu.memref_slice %arg6[%add3A_139] : memref<4194304xf32, #tpu.memory_space<hbm>> -> memref<16384xf32, #tpu.memory_space<hbm>>
    %dma_wait3A_156 = tpu.memref_slice %arg6[%add3A_139] : memref<4194304xf32, #tpu.memory_space<hbm>> -> memref<16384xf32, #tpu.memory_space<hbm>>
    tpu.wait_dma2 semaphore(%arg18 : memref<!tpu.dma_semaphore, #tpu.memory_space<semaphore_mem>>) src(%arg7 : memref<16384xf32, #tpu.memory_space<vmem>>) dst(%dma_wait3A_156 : memref<16384xf32, #tpu.memory_space<hbm>>)
    %dma_wait3A_157 = tpu.memref_slice %arg6[%add3A_150] : memref<4194304xf32, #tpu.memory_space<hbm>> -> memref<16384xf32, #tpu.memory_space<hbm>>
    %dma_wait3A_158 = tpu.memref_slice %arg6[%add3A_150] : memref<4194304xf32, #tpu.memory_space<hbm>> -> memref<16384xf32, #tpu.memory_space<hbm>>
    tpu.wait_dma2 semaphore(%arg19 : memref<!tpu.dma_semaphore, #tpu.memory_space<semaphore_mem>>) src(%arg8 : memref<16384xf32, #tpu.memory_space<vmem>>) dst(%dma_wait3A_158 : memref<16384xf32, #tpu.memory_space<hbm>>)
    return
  }
}

</mosaic_0001>

<sc_bundles>
// kernel: kernel.3.cloned.1.call-start
scs
__scs_entry_jumppad:
0x0: {  	(pc) =	sbr.rel $0x88, $3  }
0x1: {  	(tag) =	ssettag $0x0;
	lr =	simm.s32 $0x1  }
0x2: {  	[smem:$0x3F9D] =	sst lr;
	_ =	strace $0xD0000000  }
0x3: {  	_ = 	snop  }
0x4: {  	_ = 	snop  }
0x5: {  	_ = 	snop  }
0x6: {  	_ = 	snop  }
0x7: {  	_ = 	snop  }
__scs_overlays_trampoline_lowered:
0x8: {  	[smem:$0x3FAC] =	sst s0  }
0x9: {  	[smem:$0x3FAD] =	sst s1  }
0xa: {  	[smem:$0x3FAE] =	sst s2  }
0xb: {  	[smem:$0x3FAF] =	sst s3  }
0xc: {  	[smem:$0x3FB0] =	sst s4  }
0xd: {  	[smem:$0x3FB1] =	sst s5  }
0xe: {  	[smem:$0x3FB2] =	sst s6  }
0xf: {  	[smem:$0x3FB3] =	sst s7  }
0x10: {  	[smem:$0x3FB4] =	sst s8  }
0x11: {  	[smem:$0x3FB5] =	sst s9;
	s0 =	simm.s32 @!p0 $0x0  }
0x12: {  	s1 =	sld [smem:$0x3F9B];
	s0 =	simm.s32 @p0 $0x1  }
0x13: {  	[smem:$0x3FB6] =	sst s0;
	s0 =	simm.s32 @!p1 $0x0  }
0x14: {  	s2 =	sld [smem:$0x3F9A];
	s0 =	simm.s32 @p1 $0x1  }
0x15: {  	[smem:$0x3FB7] =	sst s0;
	s0 =	simm.s32 @!p2 $0x0  }
0x16: {  	s3 =	sld [smem:$0x3FDB];
	s0 =	simm.s32 @p2 $0x1  }
0x17: {  	s4 =	simm.s32 $0x1BF5;
	[smem:$0x3FB9] =	sst s0  }
0x18: {  	s0 =	sld [smem:$0x3F9C];
	_ =	swait.ge [sflag:s4], $0x0  }
0x19: {  	s7 =	sld [smem:$0x3F9D]  }
0x1a: {  	s8 =	sadd.s32 $0xFFFFE003, lr  }
0x1b: {  	s9 =	sadd.s32 $0xFFFFFEF7, lr;
	s5 =	simm.s32 $0xFFFFFFFF;
	p2 =	slt.u32 s8, $0xFFFFF086  }
0x1c: {  	p1 =	slt.u32 s9, $0xF7A;
	s5 =	simm.s32 @!p2 $0x0  }
0x1d: {  	s5 =	simm.s32 @p1 $0x1;
	p0 =	seq.s32 s7, s2  }
0x1e: {  	s7 =	smul.u32 @!p0 $0xF7A, s2;
	p2 =	seq.s32 @!p0 s5, $0x0  }
0x1f: {  	s9 =	smul.u32 $0xF7A, s1;
	s8 =	simm.s32 @!p0 $0x1BF5;
	p2 =	por !p2, p0  }
0x20: {  	[sflag:s8] =	ssyncset.s32 @!p0 $0xFFFFF086;
	s6 =	sadd.s32 @!p0 s3, s7;
	s7 =	simm.s32 @!p0 $0x108  }
0x21: {  	s3 =	sadd.s32 s3, s9;
	s6 =	sadd.s32 @!p0 $0x88, s6;
	s7 =	simm.s32 @p2 $0x1082  }
0x22: {  	[simem:s7], [sflag:s8] =	dma.local @!p0 [hbm:s6], $0xF7A  }
0x23: {  	s9 =	sor.u32 $0xD0000000, s2;
	s6 =	simm.s32 $0x108;
	_ =	swait.ge @!p0 [sflag:s8], $0x0  }
0x24: {  	s3 =	sadd.s32 $0x88, s3;
	s6 =	simm.s32 @!p1 $0x1082;
	[sflag:s4] =	ssyncset.s32 $0xFFFFF086  }
0x25: {  	[simem:s6], [sflag:s4] =	dma.local [hbm:s3], $0xF7A  }
0x26: {  	[smem:$0x3F9D] =	sst s1;
	(tag) =	ssettag s2;
	_ =	strace s9  }
0x27: {  	s1 =	sld [smem:$0x3FAD]  }
0x28: {  	s2 =	sld [smem:$0x3FAE]  }
0x29: {  	s4 =	sld [smem:$0x3FB0]  }
0x2a: {  	p0 =	seq.s32 s5, $0x0;
	s5 =	sld [smem:$0x3FB1]  }
0x2b: {  	s6 =	sld [smem:$0x3FB2]  }
0x2c: {  	s7 =	sld [smem:$0x3FB3]  }
0x2d: {  	s3 =	simm.s32 $0x108;
	s8 =	sld [smem:$0x3FB4]  }
0x2e: {  	s3 =	simm.s32 @!p0 $0x1082;
	s9 =	sld [smem:$0x3FB5]  }
0x2f: {  	lr =	sadd.s32 s0, s3;
	s0 =	sld [smem:$0x3FAC]  }
0x30: {  	s3 =	sld [smem:$0x3FAF]  }
0x31: {  	[smem:$0x3FB8] =	sst s10  }
0x32: {  	s10 =	sld [smem:$0x3FB6];
	_ =	sdelay $0x3  }
0x33: {  	p0 =	seq.s32 s10, $0x1;
	s10 =	sld [smem:$0x3FB8];
	_ =	sdelay $0x3  }
0x34: {  	[smem:$0x3FB8] =	sst s10  }
0x35: {  	s10 =	sld [smem:$0x3FB7];
	_ =	sdelay $0x3  }
0x36: {  	p1 =	seq.s32 s10, $0x1;
	s10 =	sld [smem:$0x3FB8];
	_ =	sdelay $0x3  }
0x37: {  	[smem:$0x3FB8] =	sst s10  }
0x38: {  	s10 =	sld [smem:$0x3FB9]  }
0x39: {  	_ = 	snop;
	(pc) =	sbr.ind lr, $3  }
0x3a: {  	_ = 	snop  }
0x3b: {  	_ = 	snop  }
0x3c: {  	p2 =	seq.s32 s10, $0x1;
	s10 =	sld [smem:$0x3FB8]  }
0x3d: {  	_ =	shalt  }
0x3e: {  	_ =	shalt  }
0x3f: {  	_ =	shalt  }
0x40: {  	_ =	shalt  }
0x41: {  	_ =	shalt  }
0x42: {  	_ =	shalt  }
0x43: {  	_ =	shalt  }
0x44: {  	_ =	shalt  }
0x45: {  	_ =	shalt  }
0x46: {  	_ =	shalt  }
0x47: {  	_ =	shalt  }
0x48: {  	_ =	shalt  }
0x49: {  	_ =	shalt  }
0x4a: {  	_ =	shalt  }
0x4b: {  	_ =	shalt  }
0x4c: {  	_ =	shalt  }
0x4d: {  	_ =	shalt  }
0x4e: {  	_ =	shalt  }
0x4f: {  	_ =	shalt  }
0x50: {  	_ =	shalt  }
0x51: {  	_ =	shalt  }
0x52: {  	_ =	shalt  }
0x53: {  	_ =	shalt  }
0x54: {  	_ =	shalt  }
0x55: {  	_ =	shalt  }
0x56: {  	_ =	shalt  }
0x57: {  	_ =	shalt  }
0x58: {  	_ =	shalt  }
0x59: {  	_ =	shalt  }
0x5a: {  	_ =	shalt  }
0x5b: {  	_ =	shalt  }
0x5c: {  	_ =	shalt  }
0x5d: {  	_ =	shalt  }
0x5e: {  	_ =	shalt  }
0x5f: {  	_ =	shalt  }
0x60: {  	_ =	shalt  }
0x61: {  	_ =	shalt  }
0x62: {  	_ =	shalt  }
0x63: {  	_ =	shalt  }
0x64: {  	_ =	shalt  }
0x65: {  	_ =	shalt  }
0x66: {  	_ =	shalt  }
0x67: {  	_ =	shalt  }
0x68: {  	_ =	shalt  }
0x69: {  	_ =	shalt  }
0x6a: {  	_ =	shalt  }
0x6b: {  	_ =	shalt  }
0x6c: {  	_ =	shalt  }
0x6d: {  	_ =	shalt  }
0x6e: {  	_ =	shalt  }
0x6f: {  	_ =	shalt  }
0x70: {  	_ =	shalt  }
0x71: {  	_ =	shalt  }
0x72: {  	_ =	shalt  }
0x73: {  	_ =	shalt  }
0x74: {  	_ =	shalt  }
0x75: {  	_ =	shalt  }
0x76: {  	_ =	shalt  }
0x77: {  	_ =	shalt  }
0x78: {  	_ =	shalt  }
0x79: {  	_ =	shalt  }
0x7a: {  	_ =	shalt  }
0x7b: {  	_ =	shalt  }
0x7c: {  	_ =	shalt  }
0x7d: {  	_ =	shalt  }
0x7e: {  	_ =	shalt  }
0x7f: {  	_ =	shalt  }
0x80: {  	_ =	shalt  }
0x81: {  	_ =	shalt  }
0x82: {  	_ =	shalt  }
0x83: {  	_ =	shalt  }
0x84: {  	_ =	shalt  }
0x85: {  	_ =	shalt  }
0x86: {  	_ =	shalt  }
0x87: {  	_ =	shalt  }
.Lfunc_end0:
.L_simem_size_0:
called_computation_lowered:
.L_overlay_start_0:
0x88: {  	s2 =	sld [smem:$0x3FD9]  }
0x89: {  	s3 =	sld [smem:$0x3FFE];
	_ =	sdelay $0x1  }
0x8a: {  	s1 =	srdreg.scid  }
0x8b: {  	s0 =	sand.u32 $0x1, s1  }
0x8c: {  	s18 =	sshll.u32 s0, $0xA;
	s2 =	sadd.s32 s3, s2  }
0x8d: {  	s2 =	sadd.s32 s2, s18  }
0x8e: {  	[smem:$0x3FC4] =	sst s2  }
0x8f: {  	_ = 	snop  }
0x90: {  	s2 =	sld [smem:$0x3FC9]  }
0x91: {  	s19 =	sld [smem:$0x3FC8]  }
0x92: {  	s4 =	sld [smem:$0x3FC7]  }
0x93: {  	s5 =	sld [smem:$0x3FC6]  }
0x94: {  	s6 =	sld [smem:$0x3FD0];
	(tm) =	ssettm $0x1  }
0x95: {  	s7 =	sld [smem:$0x3FFB];
	_ =	sdelay $0x3  }
0x96: {  	_ =	strace s7  }
0x97: {  	s7 =	sld [smem:$0x3FFC];
	_ =	sdelay $0x3  }
0x98: {  	_ =	strace s7  }
0x99: {  	s7 =	sld [smem:$0x3FFD];
	_ =	sdelay $0x3  }
0x9a: {  	_ =	strace s7  }
0x9b: {  	_ =	strace $0x8FFFFFFF  }
0x9c: {  	s20 =	sld [smem:$0x3FDB];
	_ =	sdelay $0x1  }
0x9d: {  	s8 =	simm.s32 $_scs_section_size  }
0x9e: {  	s9 =	simm.s32 $_size__tile_overlayer_lowered;
	s10 =	simm.s32 $_tile_overlayer_lowered  }
0x9f: {  	s23 =	simm.s32 $0x1BFF;
	s22 =	sshll.u32 s10, $0x1;
	s7 =	sadd.s32 s8, s20  }
0xa0: {  	s11 =	simm.s32 $0x0;
	s21 =	sshll.u32 s9, $0x1;
	s9 =	sadd.s32 s22, s7  }
0xa1: {  	[timem:s11], [sflag:s23] =	dma.local [hbm:s9], s21  }
0xa2: {  	_ =	swait.ge [sflag:s23], s21  }
0xa3: {  	s8 =	ssub.s32 $0x0, s21;
	[sflag:s23] =	ssyncset.done $0x0  }
0xa4: {  	[sflag:s23] =	ssyncadd.s32 s8;
	_ =	sdelay $0x1  }
0xa5: {  	s24 =	simm.s32 $0x1B8B  }
0xa6: {  	_ =	swait.ge [sflag:s24], $0x1  }
0xa7: {  	[sflag:s24] =	ssyncset.done $0x0  }
0xa8: {  	s25 =	simm.s32 $0x1B8E;
	[sflag:s24] =	ssyncadd.s32 $0xFFFFFFFF  }
0xa9: {  	s26 =	simm.s32 $execute0_lowered;
	[smem:$0x3FD2] =	sst s25  }
0xaa: {  	s8 =	sshll.u32 s26, $0x1;
	_ =	strace $0x80000046;
	[dreg:$0x1] =	wrdreg $0xFFFFFFFF  }
0xab: {  	s28 =	simm.s32 $_size_execute0_lowered;
	s7 =	sadd.s32 s7, s8;
	[dreg:$0x0] =	wrdreg $0x0  }
0xac: {  	s8 =	sshll.u32 s28, $0x1;
	[dreg:$0x2] =	wrdreg s7  }
0xad: {  	[dreg:$0x3] =	wrdreg s8  }
0xae: {  	[dreg:$0x4] =	wrdreg $0xC0  }
0xaf: {  	_ =	task [dreg:s11], $0x5FFFF  }
0xb0: {  	[dreg:$0x1] =	wrdreg $0xFFFFFFFF  }
0xb1: {  	[dreg:$0x0] =	wrdreg $0x60  }
0xb2: {  	[dreg:$0x2] =	wrdreg s2  }
0xb3: {  	[dreg:$0x3] =	wrdreg s19  }
0xb4: {  	[dreg:$0x4] =	wrdreg s4  }
0xb5: {  	[dreg:$0x5] =	wrdreg s5  }
0xb6: {  	[dreg:$0x6] =	wrdreg s6  }
0xb7: {  	[dreg:$0x7] =	wrdreg $0x9  }
0xb8: {  	_ =	task.clear_ibuf [dreg:s11], $0x8FFFF;
	_ =	strace $0x90000046  }
0xb9: {  	s29 =	simm.s32 $0x9;
	_ =	strace $0x80000048  }
0xba: {  	_ =	swait.ge [sflag:s29], $0x1  }
0xbb: {  	[sflag:s29] =	ssyncadd.s32 $0xFFFFFFFF  }
0xbc: {  	_ =	strace $0x90000048  }
0xbd: {  	_ =	sfence  }
0xbe: {  	s30 =	sld [smem:$0x0];
	_ =	sdelay $0x2  }
0xbf: {  	s31 =	sshll.u32 s1, $0xD;
	s1 =	sshrl.u32 s1, $0x2  }
0xc0: {  	s3 =	sand.u32 $0x4000, s31;
	s1 =	sadd.s32 s1, s30  }
0xc1: {  	s0 =	sor.u32 s3, s0;
	s1 =	sshll.u32 s1, $0x11  }
0xc2: {  	s0 =	sor.u32 s1, s0  }
0xc3: {  	s0 =	sadd.s32 $0x8F2B, s0  }
0xc4: {  	[sflag:s0] =	ssyncadd.remote.s32 $0x1  }
0xc5: {  	_ =	sfence.sel $0xFFFF  }
0xc6: {  	[dreg:$0x0] =	wrdreg $0xFFFFFFFF;
	(pc) =	sbr.abs _section_cstart, $3  }
0xc7: {  	[dreg:$0x1] =	wrdreg $0xFFFFFFFF  }
0xc8: {  	_ =	task.clear_ibuf [dreg:s11], $0x2FFFF;
	_ =	strace $0x9FFFFFFF  }
0xc9: {  	(tm) =	ssettm $0x7FFFFFFF  }
tec
execute0_lowered:
.L_overlay_start_1:
0x0: {  	(tag) =	ssettag $0x1  }
0x1: {  	s0 =	rddreg [dreg:$0x0]  }
0x2: {  	s2 =	rddreg [dreg:$0x1];
	s1 =	srdreg.scid  }
0x3: {  	s3 =	rddreg [dreg:$0x4];
	s7 =	stileid.u32;
	s31 =	simm.s32 $0x10000  }
0x4: {  	s4 =	sand.u32 $0x1, s1;
	s1 =	simm.s32 $0x0;
	s7 =	sshll.u32 s7, $0xF  }
0x5: {  	s5 =	ssub.s32 $0x2, s4;
	s4 =	sshll.u32 s4, $0xE;
	[smem:$0x7FF] =	sst s1  }
0x6: {  	s6 =	sshrl.u32 s5, $0x1;
	s4 =	sor.u32 s4, s7;
	s7 =	simm.s32 $0x3  }
0x7: {  	s5 =	ssub.s32 s5, s6;
	s9 =	sadd.s32 s0, s4;
	s10 =	sadd.s32 s2, s4  }
0x8: {  	s11 =	sor.u32 $0x800, s4;
	s14 =	sor.u32 $0x1000, s4;
	s16 =	sor.u32 $0x1800, s4  }
0x9: {  	s18 =	sor.u32 $0x2000, s4;
	s21 =	sor.u32 $0x2800, s4;
	[dreg:$0x6] =	wrdreg s9  }
0xa: {  	s25 =	sor.u32 $0x3000, s4;
	[dreg:$0x7] =	wrdreg s10;
	s12 =	sadd.s32 s0, s11  }
0xb: {  	s13 =	sadd.s32 s2, s11;
	s8 =	sadd.s32 s0, s14;
	[dreg:$0x8] =	wrdreg s12  }
0xc: {  	s15 =	sadd.s32 s2, s14;
	s9 =	sadd.s32 s3, s4;
	[dreg:$0x9] =	wrdreg s13  }
0xd: {  	s17 =	sadd.s32 s0, s16;
	s10 =	sadd.s32 s2, s16;
	[dreg:$0xa] =	wrdreg s8  }
0xe: {  	s6 =	sadd.s32 s3, s11;
	s19 =	sadd.s32 s0, s18;
	[dreg:$0xb] =	wrdreg s15  }
0xf: {  	s20 =	sadd.s32 s2, s18;
	s14 =	sadd.s32 s3, s14;
	[dreg:$0xc] =	wrdreg s9  }
0x10: {  	s16 =	sadd.s32 s3, s16;
	s18 =	sadd.s32 s3, s18;
	[dreg:$0xd] =	wrdreg s17  }
0x11: {  	s4 =	sor.u32 $0x3800, s4;
	s22 =	sadd.s32 s2, s21;
	[dreg:$0xe] =	wrdreg s10  }
0x12: {  	s23 =	sadd.s32 s2, s25;
	s26 =	sadd.s32 s3, s21;
	[dreg:$0xf] =	wrdreg s6  }
0x13: {  	s28 =	sadd.s32 s3, s25;
	s30 =	smax.u32 s5, $0x1;
	[dreg:$0x10] =	wrdreg s19  }
0x14: {  	s5 =	simm.s32 $0x2;
	[dreg:$0x11] =	wrdreg s20;
	s15 =	sadd.s32 s0, s21  }
0x15: {  	s17 =	sadd.s32 s0, s25;
	s19 =	sadd.s32 s0, s4;
	s24 =	sadd.s32 s2, s4  }
0x16: {  	s29 =	sadd.s32 s3, s4;
	s21 =	simm.s32 $0x7;
	s20 =	simm.s32 $0xC000  }
0x17: {  	s25 =	simm.s32 $0x4000;
	s0 =	simm.s32 $0x8000;
	s2 =	simm.s32 $0x14000  }
0x18: {  	s3 =	simm.s32 $0x1;
	s4 =	simm.s32 $0x4;
	s6 =	simm.s32 $0x5  }
0x19: {  	s8 =	simm.s32 $0x6;
	s9 =	simm.s32 $0x0;
	_ =	strace $0x80000047  }
.LBB2_1:
0x1a: {  	s10 =	rddreg [dreg:$0x2];
	s11 =	simm.s32 $0x18000  }
0x1b: {  	[tilespmem:s11], [sflag:$0x7] =	stream.linear.gather [hbm4b:s10+s1], $0x80, $0x38;
	[tilespmem:$0x18100] =	vst v63  }
0x1c: {  	_ =	swait.ge [sflag:s21], $0x80  }
0x1d: {  	[sflag:s21] =	ssyncset.done $0x0  }
0x1e: {  	[sflag:s21] =	ssyncadd.s32 $0xFFFFFF80  }
0x1f: {  	s12 =	simm.s32 $0x18080;
	s11 =	rddreg [dreg:$0x3]  }
0x20: {  	[tilespmem:s12], [sflag:$0x7] =	stream.linear.gather [hbm4b:s11+s1], $0x80, $0x38;
	[tilespmem:$0x18100] =	vst v63  }
0x21: {  	_ =	swait.ge [sflag:s21], $0x80  }
0x22: {  	[sflag:s21] =	ssyncset.done $0x0  }
0x23: {  	[sflag:s21] =	ssyncadd.s32 $0xFFFFFF80  }
0x24: {  	v0 =	vld [tilespmem:$0x18080];
	_ =	sdelay $0x2  }
0x25: {  	s13 =	rddreg [dreg:$0x6]  }
0x26: {  	v1 =	vld [tilespmem:$0x18000];
	[tilespmem:s1], [sflag:$0x1] =	stream.linear.gather [hbm4b:s13+s1], $0x4000, $0x38  }
0x27: {  	s11 =	rddreg [dreg:$0x7];
	(erf) = vrcp.f32 v0  }
0x28: {  	[tilespmem:s20], [sflag:$0x1] =	stream.linear.gather [hbm4b:s11+s1], $0x4000, $0x38;
	[tilespmem:$0x18100] =	vst v63  }
0x29: {  	s12 =	rddreg [dreg:$0x8]  }
0x2a: {  	[tilespmem:s25], [sflag:$0x2] =	stream.linear.gather [hbm4b:s12+s1], $0x4000, $0x38;
	[tilespmem:$0x18100] =	vst v63  }
0x2b: {  	s13 =	rddreg [dreg:$0x9]  }
0x2c: {  	[tilespmem:s31], [sflag:$0x2] =	stream.linear.gather [hbm4b:s13+s1], $0x4000, $0x38;
	[tilespmem:$0x18100] =	vst v63  }
0x2d: {  	s11 =	rddreg [dreg:$0xa]  }
0x2e: {  	[tilespmem:s0], [sflag:$0x3] =	stream.linear.gather [hbm4b:s11+s1], $0x4000, $0x38;
	[tilespmem:$0x18100] =	vst v63  }
0x2f: {  	s12 =	rddreg [dreg:$0xb]  }
0x30: {  	[tilespmem:s2], [sflag:$0x3] =	stream.linear.gather [hbm4b:s12+s1], $0x4000, $0x38;
	v0 =	vpop (erf);
	[tilespmem:$0x18100] =	vst v63  }
0x31: {  	_ =	swait.ge [sflag:s3], $0x4000  }
0x32: {  	[sflag:s3] =	ssyncset.done $0x0  }
0x33: {  	[sflag:s3] =	ssyncadd.s32 $0xFFFFC000  }
0x34: {  	_ =	swait.ge [sflag:s3], $0x4000  }
0x35: {  	[sflag:s3] =	ssyncset.done $0x0  }
0x36: {  	s13 =	simm.s32 $0xC040;
	[sflag:s3] =	ssyncadd.s32 $0xFFFFC000  }
0x37: {  	v2 =	vld [tilespmem:s13+$0x30]  }
0x38: {  	v3 =	vld [tilespmem:s13+$0xFFFFFFD0]  }
0x39: {  	v4 =	vld [tilespmem:s13+$0xFFFFFFE0]  }
0x3a: {  	v10 =	vld [tilespmem:s13+$0x20]  }
0x3b: {  	v13 =	vld [tilespmem:s13+$0xFFFFFFC0]  }
0x3c: {  	v5 =	vld [tilespmem:s13+$0xFFFFFFF0]  }
0x3d: {  	s10 =	simm.s32 $0x40  }
0x3e: {  	v6 =	vld [tilespmem:s10+$0x30]  }
0x3f: {  	v2 =	vadd.s32 $0xFFFFFFFF, v2;
	v3 =	vadd.s32 $0xFFFFFFFF, v3;
	v16 =	vadd.s32 $0xFFFFFFFF, v10  }
0x40: {  	v8 =	vld [tilespmem:s13+$0x0];
	v18 =	vadd.s32 $0xFFFFFFFF, v13;
	v7 =	vand.u32 $0xF, v2;
	v11 =	vand.u32 $0xF, v3  }
0x41: {  	v9 =	vld [tilespmem:s13+$0x10];
	v2 =	vadd.s32 $0xFFFFFFFF, v4;
	v4 =	vadd.s32 $0xFFFFFFFF, v5;
	v12 =	vperm.xlane v1, v7  }
0x42: {  	v19 =	vld [tilespmem:s10+$0xFFFFFFD0];
	v13 =	vand.u32 $0xF, v16;
	v22 =	vand.u32 $0xF, v18;
	v17 =	vperm.xlane v1, v11  }
0x43: {  	v3 =	vld [tilespmem:s10+$0xFFFFFFC0];
	v2 =	vand.u32 $0xF, v2;
	v14 =	vperm.xlane v0, v7;
	v15 =	vsub.f32 v6, v12  }
0x44: {  	v4 =	vand.u32 $0xF, v4;
	v18 =	vperm.xlane v0, v11;
	v11 =	vperm.xlane v1, v13;
	v12 =	vld [tilespmem:s10+$0xFFFFFFE0]  }
0x45: {  	v21 =	vperm.xlane v1, v22;
	v6 =	vadd.s32 $0xFFFFFFFF, v8;
	v20 =	vmul.f32 v15, v14;
	v14 =	vld [tilespmem:s10+$0xFFFFFFF0]  }
0x46: {  	v7 =	vperm.xlane v1, v2;
	v8 =	vadd.s32 $0xFFFFFFFF, v9;
	v6 =	vand.u32 $0xF, v6;
	v15 =	vld [tilespmem:s10+$0x0]  }
0x47: {  	v16 =	vld [tilespmem:s10+$0x10];
	v5 =	vperm.xlane v1, v4;
	v8 =	vand.u32 $0xF, v8;
	v9 =	vperm.xlane v1, v6  }
0x48: {  	s11 =	simm.s32 $0x40;
	s12 =	simm.s32 $0x0;
	s13 =	simm.s32 $0xC0C0;
	v19 =	vsub.f32 v19, v17;
	v17 =	vld [tilespmem:s10+$0x20];
	v10 =	vperm.xlane v1, v8;
	[tilespmem:s10+$0x30] =	vst v20;
	v20 =	vperm.xlane v0, v22  }
.LBB2_2:
0x49: {  	v22 =	vld [tilespmem:s13+$0x30];
	s12 =	sadd.s32 $0x8, s12;
	v2 =	vperm.xlane v0, v2;
	v7 =	vsub.f32 v12, v7;
	v4 =	vperm.xlane v0, v4  }
0x4a: {  	v6 =	vperm.xlane v0, v6;
	v12 =	vld [tilespmem:s13+$0xFFFFFFD0];
	p0 =	slt.u32 s12, $0x3F8;
	v3 =	vsub.f32 v3, v21;
	v5 =	vsub.f32 v14, v5  }
0x4b: {  	v8 =	vperm.xlane v0, v8;
	v13 =	vperm.xlane v0, v13;
	v14 =	vld [tilespmem:s13+$0xFFFFFFE0];
	v9 =	vsub.f32 v15, v9  }
0x4c: {  	s10 =	sadd.s32 $0x80, s10;
	v18 =	vmul.f32 v19, v18;
	v15 =	vld [tilespmem:s13+$0xFFFFFFF0];
	v3 =	vmul.f32 v3, v20;
	v10 =	vsub.f32 v16, v10  }
0x4d: {  	v2 =	vmul.f32 v7, v2;
	v4 =	vmul.f32 v5, v4;
	v16 =	vld [tilespmem:s10+$0x30];
	v5 =	vsub.f32 v17, v11  }
0x4e: {  	v6 =	vmul.f32 v9, v6;
	v11 =	vld [tilespmem:s13+$0x0];
	v7 =	vadd.s32 $0xFFFFFFFF, v22;
	[tilespmem:s11+$0xFFFFFFC0] =	vst v3;
	v8 =	vmul.f32 v10, v8  }
0x4f: {  	v3 =	vadd.s32 $0xFFFFFFFF, v12;
	v9 =	vld [tilespmem:s13+$0x10];
	v7 =	vand.u32 $0xF, v7;
	[tilespmem:s11+$0xFFFFFFD0] =	vst v18;
	v10 =	vmul.f32 v5, v13  }
0x50: {  	v17 =	vand.u32 $0xF, v3;
	v3 =	vadd.s32 $0xFFFFFFFF, v14;
	v13 =	vld [tilespmem:s13+$0x20];
	v5 =	vperm.xlane v1, v7;
	[tilespmem:s11+$0xFFFFFFE0] =	vst v2  }
0x51: {  	v18 =	vld [tilespmem:s13+$0xFFFFFFC0];
	v19 =	vperm.xlane v1, v17;
	v2 =	vand.u32 $0xF, v3;
	v12 =	vadd.s32 $0xFFFFFFFF, v15;
	[tilespmem:s11+$0xFFFFFFF0] =	vst v4  }
0x52: {  	v14 =	vperm.xlane v0, v7;
	v3 =	vld [tilespmem:s10+$0xFFFFFFC0];
	v4 =	vand.u32 $0xF, v12;
	v15 =	vsub.f32 v16, v5;
	[tilespmem:s11+$0x0] =	vst v6  }
0x53: {  	v7 =	vperm.xlane v1, v2;
	v22 =	vld [tilespmem:s10+$0xFFFFFFD0];
	v5 =	vperm.xlane v1, v4;
	v6 =	vadd.s32 $0xFFFFFFFF, v11;
	[tilespmem:s11+$0x10] =	vst v8  }
.Ltmp0:
0x54: {  	v12 =	vld [tilespmem:s10+$0xFFFFFFE0];
	v6 =	vand.u32 $0xF, v6;
	v8 =	vadd.s32 $0xFFFFFFFF, v9;
	v11 =	vmul.f32 v15, v14;
	[tilespmem:s11+$0x20] =	vst v10;
	s11 =	smov.u32 s10;
	(pc) =	sbr.rel @p0 .LBB2_2-.Ltmp0, $4  }
0x55: {  	v14 =	vld [tilespmem:s10+$0xFFFFFFF0];
	v9 =	vperm.xlane v1, v6;
	v8 =	vand.u32 $0xF, v8;
	v13 =	vadd.s32 $0xFFFFFFFF, v13  }
0x56: {  	v16 =	vadd.s32 $0xFFFFFFFF, v18;
	v15 =	vld [tilespmem:s10+$0x0];
	v10 =	vperm.xlane v1, v8;
	v13 =	vand.u32 $0xF, v13;
	[tilespmem:s10+$0x30] =	vst v11  }
0x57: {  	v18 =	vperm.xlane v0, v17;
	v20 =	vand.u32 $0xF, v16;
	v16 =	vld [tilespmem:s10+$0x10];
	v11 =	vperm.xlane v1, v13  }
0x58: {  	s13 =	sadd.s32 $0x80, s13;
	v21 =	vperm.xlane v1, v20;
	v20 =	vperm.xlane v0, v20;
	v19 =	vsub.f32 v22, v19;
	v17 =	vld [tilespmem:s10+$0x20]  }
0x59: {  	_ = 	snop  }
0x5a: {  	v3 =	vsub.f32 v3, v21  }
0x5b: {  	v2 =	vperm.xlane v0, v2;
	v7 =	vsub.f32 v12, v7;
	v12 =	vmul.f32 v19, v18  }
0x5c: {  	v4 =	vperm.xlane v0, v4;
	v5 =	vsub.f32 v14, v5;
	v3 =	vmul.f32 v3, v20  }
0x5d: {  	v6 =	vperm.xlane v0, v6;
	v9 =	vsub.f32 v15, v9;
	v2 =	vmul.f32 v7, v2;
	[tilespmem:s11+$0xFFFFFFD0] =	vst v12  }
0x5e: {  	v7 =	vsub.f32 v16, v10;
	v4 =	vmul.f32 v5, v4;
	[tilespmem:s11+$0xFFFFFFC0] =	vst v3;
	v3 =	vperm.xlane v0, v8  }
0x5f: {  	v5 =	vperm.xlane v0, v13;
	v6 =	vmul.f32 v9, v6;
	[tilespmem:s11+$0xFFFFFFE0] =	vst v2;
	v8 =	vsub.f32 v17, v11  }
0x60: {  	[tilespmem:s11+$0xFFFFFFF0] =	vst v4;
	v2 =	vmul.f32 v7, v3  }
0x61: {  	[tilespmem:s11+$0x0] =	vst v6;
	v3 =	vmul.f32 v8, v5  }
0x62: {  	[tilespmem:s11+$0x10] =	vst v2  }
0x63: {  	[tilespmem:s11+$0x20] =	vst v3  }
0x64: {  	s10 =	rddreg [dreg:$0xc]  }
0x65: {  	[hbm4b:s10+s1] =	stream.linear.scatter [tilespmem:s1], [sflag:$0x4], $0x4000, $0x38;
	[tilespmem:$0x18100] =	vst v63  }
0x66: {  	_ =	swait.ge [sflag:s4], $0x4000  }
0x67: {  	[sflag:s4] =	ssyncset.done $0x0  }
0x68: {  	s11 =	rddreg [dreg:$0xd];
	[sflag:s4] =	ssyncadd.s32 $0xFFFFC000  }
0x69: {  	[tilespmem:s1], [sflag:$0x1] =	stream.linear.gather [hbm4b:s11+s1], $0x4000, $0x38;
	[tilespmem:$0x18100] =	vst v63  }
0x6a: {  	s12 =	rddreg [dreg:$0xe]  }
0x6b: {  	[tilespmem:s20], [sflag:$0x1] =	stream.linear.gather [hbm4b:s12+s1], $0x4000, $0x38;
	[tilespmem:$0x18100] =	vst v63  }
0x6c: {  	_ =	swait.ge [sflag:s5], $0x4000  }
0x6d: {  	[sflag:s5] =	ssyncset.done $0x0  }
0x6e: {  	[sflag:s5] =	ssyncadd.s32 $0xFFFFC000  }
0x6f: {  	_ =	swait.ge [sflag:s5], $0x4000  }
0x70: {  	[sflag:s5] =	ssyncset.done $0x0  }
0x71: {  	s13 =	simm.s32 $0x10040;
	[sflag:s5] =	ssyncadd.s32 $0xFFFFC000  }
0x72: {  	v2 =	vld [tilespmem:s13+$0x30]  }
0x73: {  	v3 =	vld [tilespmem:s13+$0xFFFFFFD0]  }
0x74: {  	v4 =	vld [tilespmem:s13+$0xFFFFFFE0]  }
0x75: {  	v10 =	vld [tilespmem:s13+$0x20]  }
0x76: {  	v13 =	vld [tilespmem:s13+$0xFFFFFFC0]  }
0x77: {  	v5 =	vld [tilespmem:s13+$0xFFFFFFF0]  }
0x78: {  	s10 =	simm.s32 $0x4040  }
0x79: {  	v6 =	vld [tilespmem:s10+$0x30]  }
0x7a: {  	v2 =	vadd.s32 $0xFFFFFFFF, v2;
	v3 =	vadd.s32 $0xFFFFFFFF, v3;
	v16 =	vadd.s32 $0xFFFFFFFF, v10  }
0x7b: {  	v8 =	vld [tilespmem:s13+$0x0];
	v18 =	vadd.s32 $0xFFFFFFFF, v13;
	v7 =	vand.u32 $0xF, v2;
	v11 =	vand.u32 $0xF, v3  }
0x7c: {  	v9 =	vld [tilespmem:s13+$0x10];
	v2 =	vadd.s32 $0xFFFFFFFF, v4;
	v4 =	vadd.s32 $0xFFFFFFFF, v5;
	v12 =	vperm.xlane v1, v7  }
0x7d: {  	v19 =	vld [tilespmem:s10+$0xFFFFFFD0];
	v13 =	vand.u32 $0xF, v16;
	v22 =	vand.u32 $0xF, v18;
	v17 =	vperm.xlane v1, v11  }
0x7e: {  	v3 =	vld [tilespmem:s10+$0xFFFFFFC0];
	v2 =	vand.u32 $0xF, v2;
	v14 =	vperm.xlane v0, v7;
	v15 =	vsub.f32 v6, v12  }
0x7f: {  	v4 =	vand.u32 $0xF, v4;
	v18 =	vperm.xlane v0, v11;
	v11 =	vperm.xlane v1, v13;
	v12 =	vld [tilespmem:s10+$0xFFFFFFE0]  }
0x80: {  	v21 =	vperm.xlane v1, v22;
	v6 =	vadd.s32 $0xFFFFFFFF, v8;
	v20 =	vmul.f32 v15, v14;
	v14 =	vld [tilespmem:s10+$0xFFFFFFF0]  }
0x81: {  	v7 =	vperm.xlane v1, v2;
	v8 =	vadd.s32 $0xFFFFFFFF, v9;
	v6 =	vand.u32 $0xF, v6;
	v15 =	vld [tilespmem:s10+$0x0]  }
0x82: {  	v16 =	vld [tilespmem:s10+$0x10];
	v5 =	vperm.xlane v1, v4;
	v8 =	vand.u32 $0xF, v8;
	v9 =	vperm.xlane v1, v6  }
0x83: {  	s11 =	simm.s32 $0x4040;
	s12 =	simm.s32 $0x0;
	s13 =	simm.s32 $0x100C0;
	v19 =	vsub.f32 v19, v17;
	v17 =	vld [tilespmem:s10+$0x20];
	v10 =	vperm.xlane v1, v8;
	[tilespmem:s10+$0x30] =	vst v20;
	v20 =	vperm.xlane v0, v22  }
.LBB2_4:
0x84: {  	v22 =	vld [tilespmem:s13+$0x30];
	s12 =	sadd.s32 $0x8, s12;
	v2 =	vperm.xlane v0, v2;
	v7 =	vsub.f32 v12, v7;
	v4 =	vperm.xlane v0, v4  }
0x85: {  	v6 =	vperm.xlane v0, v6;
	v12 =	vld [tilespmem:s13+$0xFFFFFFD0];
	p0 =	slt.u32 s12, $0x3F8;
	v3 =	vsub.f32 v3, v21;
	v5 =	vsub.f32 v14, v5  }
0x86: {  	v8 =	vperm.xlane v0, v8;
	v13 =	vperm.xlane v0, v13;
	v14 =	vld [tilespmem:s13+$0xFFFFFFE0];
	v9 =	vsub.f32 v15, v9  }
0x87: {  	s10 =	sadd.s32 $0x80, s10;
	v18 =	vmul.f32 v19, v18;
	v15 =	vld [tilespmem:s13+$0xFFFFFFF0];
	v3 =	vmul.f32 v3, v20;
	v10 =	vsub.f32 v16, v10  }
0x88: {  	v2 =	vmul.f32 v7, v2;
	v4 =	vmul.f32 v5, v4;
	v16 =	vld [tilespmem:s10+$0x30];
	v5 =	vsub.f32 v17, v11  }
0x89: {  	v6 =	vmul.f32 v9, v6;
	v11 =	vld [tilespmem:s13+$0x0];
	v7 =	vadd.s32 $0xFFFFFFFF, v22;
	[tilespmem:s11+$0xFFFFFFC0] =	vst v3;
	v8 =	vmul.f32 v10, v8  }
0x8a: {  	v3 =	vadd.s32 $0xFFFFFFFF, v12;
	v9 =	vld [tilespmem:s13+$0x10];
	v7 =	vand.u32 $0xF, v7;
	[tilespmem:s11+$0xFFFFFFD0] =	vst v18;
	v10 =	vmul.f32 v5, v13  }
0x8b: {  	v17 =	vand.u32 $0xF, v3;
	v3 =	vadd.s32 $0xFFFFFFFF, v14;
	v13 =	vld [tilespmem:s13+$0x20];
	v5 =	vperm.xlane v1, v7;
	[tilespmem:s11+$0xFFFFFFE0] =	vst v2  }
0x8c: {  	v18 =	vld [tilespmem:s13+$0xFFFFFFC0];
	v19 =	vperm.xlane v1, v17;
	v2 =	vand.u32 $0xF, v3;
	v12 =	vadd.s32 $0xFFFFFFFF, v15;
	[tilespmem:s11+$0xFFFFFFF0] =	vst v4  }
0x8d: {  	v14 =	vperm.xlane v0, v7;
	v3 =	vld [tilespmem:s10+$0xFFFFFFC0];
	v4 =	vand.u32 $0xF, v12;
	v15 =	vsub.f32 v16, v5;
	[tilespmem:s11+$0x0] =	vst v6  }
0x8e: {  	v7 =	vperm.xlane v1, v2;
	v22 =	vld [tilespmem:s10+$0xFFFFFFD0];
	v5 =	vperm.xlane v1, v4;
	v6 =	vadd.s32 $0xFFFFFFFF, v11;
	[tilespmem:s11+$0x10] =	vst v8  }
.Ltmp1:
0x8f: {  	v12 =	vld [tilespmem:s10+$0xFFFFFFE0];
	v6 =	vand.u32 $0xF, v6;
	v8 =	vadd.s32 $0xFFFFFFFF, v9;
	v11 =	vmul.f32 v15, v14;
	[tilespmem:s11+$0x20] =	vst v10;
	s11 =	smov.u32 s10;
	(pc) =	sbr.rel @p0 .LBB2_4-.Ltmp1, $4  }
0x90: {  	v14 =	vld [tilespmem:s10+$0xFFFFFFF0];
	v9 =	vperm.xlane v1, v6;
	v8 =	vand.u32 $0xF, v8;
	v13 =	vadd.s32 $0xFFFFFFFF, v13  }
0x91: {  	v16 =	vadd.s32 $0xFFFFFFFF, v18;
	v15 =	vld [tilespmem:s10+$0x0];
	v10 =	vperm.xlane v1, v8;
	v13 =	vand.u32 $0xF, v13;
	[tilespmem:s10+$0x30] =	vst v11  }
0x92: {  	v18 =	vperm.xlane v0, v17;
	v20 =	vand.u32 $0xF, v16;
	v16 =	vld [tilespmem:s10+$0x10];
	v11 =	vperm.xlane v1, v13  }
0x93: {  	s13 =	sadd.s32 $0x80, s13;
	v21 =	vperm.xlane v1, v20;
	v20 =	vperm.xlane v0, v20;
	v19 =	vsub.f32 v22, v19;
	v17 =	vld [tilespmem:s10+$0x20]  }
0x94: {  	_ = 	snop  }
0x95: {  	v3 =	vsub.f32 v3, v21  }
0x96: {  	v2 =	vperm.xlane v0, v2;
	v7 =	vsub.f32 v12, v7;
	v12 =	vmul.f32 v19, v18  }
0x97: {  	v4 =	vperm.xlane v0, v4;
	v5 =	vsub.f32 v14, v5;
	v3 =	vmul.f32 v3, v20  }
0x98: {  	v6 =	vperm.xlane v0, v6;
	v9 =	vsub.f32 v15, v9;
	v2 =	vmul.f32 v7, v2;
	[tilespmem:s11+$0xFFFFFFD0] =	vst v12  }
0x99: {  	v7 =	vsub.f32 v16, v10;
	v4 =	vmul.f32 v5, v4;
	[tilespmem:s11+$0xFFFFFFC0] =	vst v3;
	v3 =	vperm.xlane v0, v8  }
0x9a: {  	v5 =	vperm.xlane v0, v13;
	v6 =	vmul.f32 v9, v6;
	[tilespmem:s11+$0xFFFFFFE0] =	vst v2;
	v8 =	vsub.f32 v17, v11  }
0x9b: {  	[tilespmem:s11+$0xFFFFFFF0] =	vst v4;
	v2 =	vmul.f32 v7, v3  }
0x9c: {  	[tilespmem:s11+$0x0] =	vst v6;
	v3 =	vmul.f32 v8, v5  }
0x9d: {  	[tilespmem:s11+$0x10] =	vst v2  }
0x9e: {  	[tilespmem:s11+$0x20] =	vst v3  }
0x9f: {  	s10 =	rddreg [dreg:$0xf]  }
0xa0: {  	[hbm4b:s10+s1] =	stream.linear.scatter [tilespmem:s25], [sflag:$0x5], $0x4000, $0x38;
	[tilespmem:$0x18100] =	vst v63  }
0xa1: {  	_ =	swait.ge [sflag:s6], $0x4000  }
0xa2: {  	[sflag:s6] =	ssyncset.done $0x0  }
0xa3: {  	s11 =	rddreg [dreg:$0x10];
	[sflag:s6] =	ssyncadd.s32 $0xFFFFC000  }
0xa4: {  	[tilespmem:s25], [sflag:$0x2] =	stream.linear.gather [hbm4b:s11+s1], $0x4000, $0x38;
	[tilespmem:$0x18100] =	vst v63  }
0xa5: {  	s12 =	rddreg [dreg:$0x11]  }
0xa6: {  	[tilespmem:s31], [sflag:$0x2] =	stream.linear.gather [hbm4b:s12+s1], $0x4000, $0x38;
	[tilespmem:$0x18100] =	vst v63  }
0xa7: {  	_ =	swait.ge [sflag:s7], $0x4000  }
0xa8: {  	[sflag:s7] =	ssyncset.done $0x0  }
0xa9: {  	[sflag:s7] =	ssyncadd.s32 $0xFFFFC000  }
0xaa: {  	_ =	swait.ge [sflag:s7], $0x4000  }
0xab: {  	[sflag:s7] =	ssyncset.done $0x0  }
0xac: {  	s13 =	simm.s32 $0x14040;
	[sflag:s7] =	ssyncadd.s32 $0xFFFFC000  }
0xad: {  	v2 =	vld [tilespmem:s13+$0x30]  }
0xae: {  	v3 =	vld [tilespmem:s13+$0xFFFFFFD0]  }
0xaf: {  	v4 =	vld [tilespmem:s13+$0xFFFFFFE0]  }
0xb0: {  	v10 =	vld [tilespmem:s13+$0x20]  }
0xb1: {  	v13 =	vld [tilespmem:s13+$0xFFFFFFC0]  }
0xb2: {  	v5 =	vld [tilespmem:s13+$0xFFFFFFF0]  }
0xb3: {  	s10 =	simm.s32 $0x8040  }
0xb4: {  	v6 =	vld [tilespmem:s10+$0x30]  }
0xb5: {  	v2 =	vadd.s32 $0xFFFFFFFF, v2;
	v3 =	vadd.s32 $0xFFFFFFFF, v3;
	v16 =	vadd.s32 $0xFFFFFFFF, v10  }
0xb6: {  	v8 =	vld [tilespmem:s13+$0x0];
	v18 =	vadd.s32 $0xFFFFFFFF, v13;
	v7 =	vand.u32 $0xF, v2;
	v11 =	vand.u32 $0xF, v3  }
0xb7: {  	v9 =	vld [tilespmem:s13+$0x10];
	v2 =	vadd.s32 $0xFFFFFFFF, v4;
	v4 =	vadd.s32 $0xFFFFFFFF, v5;
	v12 =	vperm.xlane v1, v7  }
0xb8: {  	v19 =	vld [tilespmem:s10+$0xFFFFFFD0];
	v13 =	vand.u32 $0xF, v16;
	v22 =	vand.u32 $0xF, v18;
	v17 =	vperm.xlane v1, v11  }
0xb9: {  	v3 =	vld [tilespmem:s10+$0xFFFFFFC0];
	v2 =	vand.u32 $0xF, v2;
	v14 =	vperm.xlane v0, v7;
	v15 =	vsub.f32 v6, v12  }
0xba: {  	v4 =	vand.u32 $0xF, v4;
	v18 =	vperm.xlane v0, v11;
	v11 =	vperm.xlane v1, v13;
	v12 =	vld [tilespmem:s10+$0xFFFFFFE0]  }
0xbb: {  	v21 =	vperm.xlane v1, v22;
	v6 =	vadd.s32 $0xFFFFFFFF, v8;
	v20 =	vmul.f32 v15, v14;
	v14 =	vld [tilespmem:s10+$0xFFFFFFF0]  }
0xbc: {  	v7 =	vperm.xlane v1, v2;
	v8 =	vadd.s32 $0xFFFFFFFF, v9;
	v6 =	vand.u32 $0xF, v6;
	v15 =	vld [tilespmem:s10+$0x0]  }
0xbd: {  	v16 =	vld [tilespmem:s10+$0x10];
	v5 =	vperm.xlane v1, v4;
	v8 =	vand.u32 $0xF, v8;
	v9 =	vperm.xlane v1, v6  }
0xbe: {  	s11 =	simm.s32 $0x8040;
	s12 =	simm.s32 $0x0;
	s13 =	simm.s32 $0x140C0;
	v19 =	vsub.f32 v19, v17;
	v17 =	vld [tilespmem:s10+$0x20];
	v10 =	vperm.xlane v1, v8;
	[tilespmem:s10+$0x30] =	vst v20;
	v20 =	vperm.xlane v0, v22  }
.LBB2_6:
0xbf: {  	v22 =	vld [tilespmem:s13+$0x30];
	s12 =	sadd.s32 $0x8, s12;
	v2 =	vperm.xlane v0, v2;
	v7 =	vsub.f32 v12, v7;
	v4 =	vperm.xlane v0, v4  }
0xc0: {  	v6 =	vperm.xlane v0, v6;
	v12 =	vld [tilespmem:s13+$0xFFFFFFD0];
	p0 =	slt.u32 s12, $0x3F8;
	v3 =	vsub.f32 v3, v21;
	v5 =	vsub.f32 v14, v5  }
0xc1: {  	v8 =	vperm.xlane v0, v8;
	v13 =	vperm.xlane v0, v13;
	v14 =	vld [tilespmem:s13+$0xFFFFFFE0];
	v9 =	vsub.f32 v15, v9  }
0xc2: {  	s10 =	sadd.s32 $0x80, s10;
	v18 =	vmul.f32 v19, v18;
	v15 =	vld [tilespmem:s13+$0xFFFFFFF0];
	v3 =	vmul.f32 v3, v20;
	v10 =	vsub.f32 v16, v10  }
0xc3: {  	v2 =	vmul.f32 v7, v2;
	v4 =	vmul.f32 v5, v4;
	v16 =	vld [tilespmem:s10+$0x30];
	v5 =	vsub.f32 v17, v11  }
0xc4: {  	v6 =	vmul.f32 v9, v6;
	v11 =	vld [tilespmem:s13+$0x0];
	v7 =	vadd.s32 $0xFFFFFFFF, v22;
	[tilespmem:s11+$0xFFFFFFC0] =	vst v3;
	v8 =	vmul.f32 v10, v8  }
0xc5: {  	v3 =	vadd.s32 $0xFFFFFFFF, v12;
	v9 =	vld [tilespmem:s13+$0x10];
	v7 =	vand.u32 $0xF, v7;
	[tilespmem:s11+$0xFFFFFFD0] =	vst v18;
	v10 =	vmul.f32 v5, v13  }
0xc6: {  	v17 =	vand.u32 $0xF, v3;
	v3 =	vadd.s32 $0xFFFFFFFF, v14;
	v13 =	vld [tilespmem:s13+$0x20];
	v5 =	vperm.xlane v1, v7;
	[tilespmem:s11+$0xFFFFFFE0] =	vst v2  }
0xc7: {  	v18 =	vld [tilespmem:s13+$0xFFFFFFC0];
	v19 =	vperm.xlane v1, v17;
	v2 =	vand.u32 $0xF, v3;
	v12 =	vadd.s32 $0xFFFFFFFF, v15;
	[tilespmem:s11+$0xFFFFFFF0] =	vst v4  }
0xc8: {  	v14 =	vperm.xlane v0, v7;
	v3 =	vld [tilespmem:s10+$0xFFFFFFC0];
	v4 =	vand.u32 $0xF, v12;
	v15 =	vsub.f32 v16, v5;
	[tilespmem:s11+$0x0] =	vst v6  }
0xc9: {  	v7 =	vperm.xlane v1, v2;
	v22 =	vld [tilespmem:s10+$0xFFFFFFD0];
	v5 =	vperm.xlane v1, v4;
	v6 =	vadd.s32 $0xFFFFFFFF, v11;
	[tilespmem:s11+$0x10] =	vst v8  }
.Ltmp2:
0xca: {  	v12 =	vld [tilespmem:s10+$0xFFFFFFE0];
	v6 =	vand.u32 $0xF, v6;
	v8 =	vadd.s32 $0xFFFFFFFF, v9;
	v11 =	vmul.f32 v15, v14;
	[tilespmem:s11+$0x20] =	vst v10;
	s11 =	smov.u32 s10;
	(pc) =	sbr.rel @p0 .LBB2_6-.Ltmp2, $4  }
0xcb: {  	v14 =	vld [tilespmem:s10+$0xFFFFFFF0];
	v9 =	vperm.xlane v1, v6;
	v8 =	vand.u32 $0xF, v8;
	v13 =	vadd.s32 $0xFFFFFFFF, v13  }
0xcc: {  	v16 =	vadd.s32 $0xFFFFFFFF, v18;
	v15 =	vld [tilespmem:s10+$0x0];
	v10 =	vperm.xlane v1, v8;
	v13 =	vand.u32 $0xF, v13;
	[tilespmem:s10+$0x30] =	vst v11  }
0xcd: {  	v18 =	vperm.xlane v0, v17;
	v20 =	vand.u32 $0xF, v16;
	v16 =	vld [tilespmem:s10+$0x10];
	v11 =	vperm.xlane v1, v13  }
0xce: {  	s13 =	sadd.s32 $0x80, s13;
	v21 =	vperm.xlane v1, v20;
	v20 =	vperm.xlane v0, v20;
	v19 =	vsub.f32 v22, v19;
	v17 =	vld [tilespmem:s10+$0x20]  }
0xcf: {  	_ = 	snop  }
0xd0: {  	v3 =	vsub.f32 v3, v21  }
0xd1: {  	v2 =	vperm.xlane v0, v2;
	v7 =	vsub.f32 v12, v7;
	v12 =	vmul.f32 v19, v18  }
0xd2: {  	v4 =	vperm.xlane v0, v4;
	v5 =	vsub.f32 v14, v5;
	v3 =	vmul.f32 v3, v20  }
0xd3: {  	v6 =	vperm.xlane v0, v6;
	v9 =	vsub.f32 v15, v9;
	v2 =	vmul.f32 v7, v2;
	[tilespmem:s11+$0xFFFFFFD0] =	vst v12  }
0xd4: {  	v7 =	vsub.f32 v16, v10;
	v4 =	vmul.f32 v5, v4;
	[tilespmem:s11+$0xFFFFFFC0] =	vst v3;
	v3 =	vperm.xlane v0, v8  }
0xd5: {  	v5 =	vperm.xlane v0, v13;
	v6 =	vmul.f32 v9, v6;
	[tilespmem:s11+$0xFFFFFFE0] =	vst v2;
	v8 =	vsub.f32 v17, v11  }
0xd6: {  	[tilespmem:s11+$0xFFFFFFF0] =	vst v4;
	v2 =	vmul.f32 v7, v3  }
0xd7: {  	[tilespmem:s11+$0x0] =	vst v6;
	v3 =	vmul.f32 v8, v5  }
0xd8: {  	[tilespmem:s11+$0x10] =	vst v2  }
0xd9: {  	[tilespmem:s11+$0x20] =	vst v3  }
0xda: {  	[hbm4b:s14+s1] =	stream.linear.scatter [tilespmem:s0], [sflag:$0x6], $0x4000, $0x38;
	[tilespmem:$0x18100] =	vst v63  }
0xdb: {  	_ =	swait.ge [sflag:s8], $0x4000  }
0xdc: {  	[sflag:s8] =	ssyncset.done $0x0  }
0xdd: {  	[sflag:s8] =	ssyncadd.s32 $0xFFFFC000  }
0xde: {  	[tilespmem:s0], [sflag:$0x3] =	stream.linear.gather [hbm4b:s15+s1], $0x4000, $0x38;
	[tilespmem:$0x18100] =	vst v63  }
0xdf: {  	_ = 	snop  }
0xe0: {  	[tilespmem:s2], [sflag:$0x3] =	stream.linear.gather [hbm4b:s22+s1], $0x4000, $0x38;
	[tilespmem:$0x18100] =	vst v63  }
0xe1: {  	_ =	swait.ge [sflag:s3], $0x4000  }
0xe2: {  	[sflag:s3] =	ssyncset.done $0x0  }
0xe3: {  	[sflag:s3] =	ssyncadd.s32 $0xFFFFC000  }
0xe4: {  	_ =	swait.ge [sflag:s3], $0x4000  }
0xe5: {  	[sflag:s3] =	ssyncset.done $0x0  }
0xe6: {  	s13 =	simm.s32 $0xC040;
	[sflag:s3] =	ssyncadd.s32 $0xFFFFC000  }
0xe7: {  	v2 =	vld [tilespmem:s13+$0x30]  }
0xe8: {  	v3 =	vld [tilespmem:s13+$0xFFFFFFD0]  }
0xe9: {  	v4 =	vld [tilespmem:s13+$0xFFFFFFE0]  }
0xea: {  	v10 =	vld [tilespmem:s13+$0x20]  }
0xeb: {  	v13 =	vld [tilespmem:s13+$0xFFFFFFC0]  }
0xec: {  	v5 =	vld [tilespmem:s13+$0xFFFFFFF0]  }
0xed: {  	s10 =	simm.s32 $0x40  }
0xee: {  	v6 =	vld [tilespmem:s10+$0x30]  }
0xef: {  	v2 =	vadd.s32 $0xFFFFFFFF, v2;
	v3 =	vadd.s32 $0xFFFFFFFF, v3;
	v16 =	vadd.s32 $0xFFFFFFFF, v10  }
0xf0: {  	v8 =	vld [tilespmem:s13+$0x0];
	v18 =	vadd.s32 $0xFFFFFFFF, v13;
	v7 =	vand.u32 $0xF, v2;
	v11 =	vand.u32 $0xF, v3  }
0xf1: {  	v9 =	vld [tilespmem:s13+$0x10];
	v2 =	vadd.s32 $0xFFFFFFFF, v4;
	v4 =	vadd.s32 $0xFFFFFFFF, v5;
	v12 =	vperm.xlane v1, v7  }
0xf2: {  	v19 =	vld [tilespmem:s10+$0xFFFFFFD0];
	v13 =	vand.u32 $0xF, v16;
	v22 =	vand.u32 $0xF, v18;
	v17 =	vperm.xlane v1, v11  }
0xf3: {  	v3 =	vld [tilespmem:s10+$0xFFFFFFC0];
	v2 =	vand.u32 $0xF, v2;
	v14 =	vperm.xlane v0, v7;
	v15 =	vsub.f32 v6, v12  }
0xf4: {  	v4 =	vand.u32 $0xF, v4;
	v18 =	vperm.xlane v0, v11;
	v11 =	vperm.xlane v1, v13;
	v12 =	vld [tilespmem:s10+$0xFFFFFFE0]  }
0xf5: {  	v21 =	vperm.xlane v1, v22;
	v6 =	vadd.s32 $0xFFFFFFFF, v8;
	v20 =	vmul.f32 v15, v14;
	v14 =	vld [tilespmem:s10+$0xFFFFFFF0]  }
0xf6: {  	v7 =	vperm.xlane v1, v2;
	v8 =	vadd.s32 $0xFFFFFFFF, v9;
	v6 =	vand.u32 $0xF, v6;
	v15 =	vld [tilespmem:s10+$0x0]  }
0xf7: {  	v16 =	vld [tilespmem:s10+$0x10];
	v5 =	vperm.xlane v1, v4;
	v8 =	vand.u32 $0xF, v8;
	v9 =	vperm.xlane v1, v6  }
0xf8: {  	s12 =	simm.s32 $0x0;
	s11 =	simm.s32 $0x40;
	s13 =	simm.s32 $0xC0C0;
	v19 =	vsub.f32 v19, v17;
	v17 =	vld [tilespmem:s10+$0x20];
	v10 =	vperm.xlane v1, v8;
	[tilespmem:s10+$0x30] =	vst v20;
	v20 =	vperm.xlane v0, v22  }
.LBB2_8:
0xf9: {  	v22 =	vld [tilespmem:s13+$0x30];
	s12 =	sadd.s32 $0x8, s12;
	v2 =	vperm.xlane v0, v2;
	v7 =	vsub.f32 v12, v7;
	v4 =	vperm.xlane v0, v4  }
0xfa: {  	v6 =	vperm.xlane v0, v6;
	v12 =	vld [tilespmem:s13+$0xFFFFFFD0];
	p0 =	slt.u32 s12, $0x3F8;
	v3 =	vsub.f32 v3, v21;
	v5 =	vsub.f32 v14, v5  }
0xfb: {  	v8 =	vperm.xlane v0, v8;
	v13 =	vperm.xlane v0, v13;
	v14 =	vld [tilespmem:s13+$0xFFFFFFE0];
	v9 =	vsub.f32 v15, v9  }
0xfc: {  	s10 =	sadd.s32 $0x80, s10;
	v18 =	vmul.f32 v19, v18;
	v15 =	vld [tilespmem:s13+$0xFFFFFFF0];
	v3 =	vmul.f32 v3, v20;
	v10 =	vsub.f32 v16, v10  }
0xfd: {  	v2 =	vmul.f32 v7, v2;
	v4 =	vmul.f32 v5, v4;
	v16 =	vld [tilespmem:s10+$0x30];
	v5 =	vsub.f32 v17, v11  }
0xfe: {  	v6 =	vmul.f32 v9, v6;
	v11 =	vld [tilespmem:s13+$0x0];
	v7 =	vadd.s32 $0xFFFFFFFF, v22;
	[tilespmem:s11+$0xFFFFFFC0] =	vst v3;
	v8 =	vmul.f32 v10, v8  }
0xff: {  	v3 =	vadd.s32 $0xFFFFFFFF, v12;
	v9 =	vld [tilespmem:s13+$0x10];
	v7 =	vand.u32 $0xF, v7;
	[tilespmem:s11+$0xFFFFFFD0] =	vst v18;
	v10 =	vmul.f32 v5, v13  }
0x100: {  	v17 =	vand.u32 $0xF, v3;
	v3 =	vadd.s32 $0xFFFFFFFF, v14;
	v13 =	vld [tilespmem:s13+$0x20];
	v5 =	vperm.xlane v1, v7;
	[tilespmem:s11+$0xFFFFFFE0] =	vst v2  }
0x101: {  	v18 =	vld [tilespmem:s13+$0xFFFFFFC0];
	v19 =	vperm.xlane v1, v17;
	v2 =	vand.u32 $0xF, v3;
	v12 =	vadd.s32 $0xFFFFFFFF, v15;
	[tilespmem:s11+$0xFFFFFFF0] =	vst v4  }
0x102: {  	v14 =	vperm.xlane v0, v7;
	v3 =	vld [tilespmem:s10+$0xFFFFFFC0];
	v4 =	vand.u32 $0xF, v12;
	v15 =	vsub.f32 v16, v5;
	[tilespmem:s11+$0x0] =	vst v6  }
0x103: {  	v7 =	vperm.xlane v1, v2;
	v22 =	vld [tilespmem:s10+$0xFFFFFFD0];
	v5 =	vperm.xlane v1, v4;
	v6 =	vadd.s32 $0xFFFFFFFF, v11;
	[tilespmem:s11+$0x10] =	vst v8  }
.Ltmp3:
0x104: {  	v12 =	vld [tilespmem:s10+$0xFFFFFFE0];
	v6 =	vand.u32 $0xF, v6;
	v8 =	vadd.s32 $0xFFFFFFFF, v9;
	v11 =	vmul.f32 v15, v14;
	[tilespmem:s11+$0x20] =	vst v10;
	s11 =	smov.u32 s10;
	(pc) =	sbr.rel @p0 .LBB2_8-.Ltmp3, $4  }
0x105: {  	v14 =	vld [tilespmem:s10+$0xFFFFFFF0];
	v9 =	vperm.xlane v1, v6;
	v8 =	vand.u32 $0xF, v8;
	v13 =	vadd.s32 $0xFFFFFFFF, v13  }
0x106: {  	v16 =	vadd.s32 $0xFFFFFFFF, v18;
	v15 =	vld [tilespmem:s10+$0x0];
	v10 =	vperm.xlane v1, v8;
	v13 =	vand.u32 $0xF, v13;
	[tilespmem:s10+$0x30] =	vst v11  }
0x107: {  	v18 =	vperm.xlane v0, v17;
	v20 =	vand.u32 $0xF, v16;
	v16 =	vld [tilespmem:s10+$0x10];
	v11 =	vperm.xlane v1, v13  }
0x108: {  	s13 =	sadd.s32 $0x80, s13;
	v21 =	vperm.xlane v1, v20;
	v20 =	vperm.xlane v0, v20;
	v19 =	vsub.f32 v22, v19;
	v17 =	vld [tilespmem:s10+$0x20]  }
0x109: {  	_ = 	snop  }
0x10a: {  	v3 =	vsub.f32 v3, v21  }
0x10b: {  	v2 =	vperm.xlane v0, v2;
	v7 =	vsub.f32 v12, v7;
	v12 =	vmul.f32 v19, v18  }
0x10c: {  	v4 =	vperm.xlane v0, v4;
	v5 =	vsub.f32 v14, v5;
	v3 =	vmul.f32 v3, v20  }
0x10d: {  	v6 =	vperm.xlane v0, v6;
	v9 =	vsub.f32 v15, v9;
	v2 =	vmul.f32 v7, v2;
	[tilespmem:s11+$0xFFFFFFD0] =	vst v12  }
0x10e: {  	v7 =	vsub.f32 v16, v10;
	v4 =	vmul.f32 v5, v4;
	[tilespmem:s11+$0xFFFFFFC0] =	vst v3;
	v3 =	vperm.xlane v0, v8  }
0x10f: {  	v5 =	vperm.xlane v0, v13;
	v6 =	vmul.f32 v9, v6;
	[tilespmem:s11+$0xFFFFFFE0] =	vst v2;
	v8 =	vsub.f32 v17, v11  }
0x110: {  	[tilespmem:s11+$0xFFFFFFF0] =	vst v4;
	v2 =	vmul.f32 v7, v3  }
0x111: {  	[tilespmem:s11+$0x0] =	vst v6;
	v3 =	vmul.f32 v8, v5  }
0x112: {  	[tilespmem:s11+$0x10] =	vst v2  }
0x113: {  	[tilespmem:s11+$0x20] =	vst v3  }
0x114: {  	[hbm4b:s16+s1] =	stream.linear.scatter [tilespmem:s1], [sflag:$0x4], $0x4000, $0x38;
	[tilespmem:$0x18100] =	vst v63  }
0x115: {  	_ =	swait.ge [sflag:s4], $0x4000  }
0x116: {  	[sflag:s4] =	ssyncset.done $0x0  }
0x117: {  	[sflag:s4] =	ssyncadd.s32 $0xFFFFC000  }
0x118: {  	[tilespmem:s1], [sflag:$0x1] =	stream.linear.gather [hbm4b:s17+s1], $0x4000, $0x38;
	[tilespmem:$0x18100] =	vst v63  }
0x119: {  	_ = 	snop  }
0x11a: {  	[tilespmem:s20], [sflag:$0x1] =	stream.linear.gather [hbm4b:s23+s1], $0x4000, $0x38;
	[tilespmem:$0x18100] =	vst v63  }
0x11b: {  	_ =	swait.ge [sflag:s5], $0x4000  }
0x11c: {  	[sflag:s5] =	ssyncset.done $0x0  }
0x11d: {  	[sflag:s5] =	ssyncadd.s32 $0xFFFFC000  }
0x11e: {  	_ =	swait.ge [sflag:s5], $0x4000  }
0x11f: {  	[sflag:s5] =	ssyncset.done $0x0  }
0x120: {  	s13 =	simm.s32 $0x10040;
	[sflag:s5] =	ssyncadd.s32 $0xFFFFC000  }
0x121: {  	v2 =	vld [tilespmem:s13+$0x30]  }
0x122: {  	v3 =	vld [tilespmem:s13+$0xFFFFFFD0]  }
0x123: {  	v4 =	vld [tilespmem:s13+$0xFFFFFFE0]  }
0x124: {  	v10 =	vld [tilespmem:s13+$0x20]  }
0x125: {  	v13 =	vld [tilespmem:s13+$0xFFFFFFC0]  }
0x126: {  	v5 =	vld [tilespmem:s13+$0xFFFFFFF0]  }
0x127: {  	s10 =	simm.s32 $0x4040  }
0x128: {  	v6 =	vld [tilespmem:s10+$0x30]  }
0x129: {  	v2 =	vadd.s32 $0xFFFFFFFF, v2;
	v3 =	vadd.s32 $0xFFFFFFFF, v3;
	v16 =	vadd.s32 $0xFFFFFFFF, v10  }
0x12a: {  	v8 =	vld [tilespmem:s13+$0x0];
	v18 =	vadd.s32 $0xFFFFFFFF, v13;
	v7 =	vand.u32 $0xF, v2;
	v11 =	vand.u32 $0xF, v3  }
0x12b: {  	v9 =	vld [tilespmem:s13+$0x10];
	v2 =	vadd.s32 $0xFFFFFFFF, v4;
	v4 =	vadd.s32 $0xFFFFFFFF, v5;
	v12 =	vperm.xlane v1, v7  }
0x12c: {  	v19 =	vld [tilespmem:s10+$0xFFFFFFD0];
	v13 =	vand.u32 $0xF, v16;
	v22 =	vand.u32 $0xF, v18;
	v17 =	vperm.xlane v1, v11  }
0x12d: {  	v3 =	vld [tilespmem:s10+$0xFFFFFFC0];
	v2 =	vand.u32 $0xF, v2;
	v14 =	vperm.xlane v0, v7;
	v15 =	vsub.f32 v6, v12  }
0x12e: {  	v4 =	vand.u32 $0xF, v4;
	v18 =	vperm.xlane v0, v11;
	v11 =	vperm.xlane v1, v13;
	v12 =	vld [tilespmem:s10+$0xFFFFFFE0]  }
0x12f: {  	v21 =	vperm.xlane v1, v22;
	v6 =	vadd.s32 $0xFFFFFFFF, v8;
	v20 =	vmul.f32 v15, v14;
	v14 =	vld [tilespmem:s10+$0xFFFFFFF0]  }
0x130: {  	v7 =	vperm.xlane v1, v2;
	v8 =	vadd.s32 $0xFFFFFFFF, v9;
	v6 =	vand.u32 $0xF, v6;
	v15 =	vld [tilespmem:s10+$0x0]  }
0x131: {  	v16 =	vld [tilespmem:s10+$0x10];
	v5 =	vperm.xlane v1, v4;
	v8 =	vand.u32 $0xF, v8;
	v9 =	vperm.xlane v1, v6  }
0x132: {  	s12 =	simm.s32 $0x0;
	s11 =	simm.s32 $0x4040;
	s13 =	simm.s32 $0x100C0;
	v19 =	vsub.f32 v19, v17;
	v17 =	vld [tilespmem:s10+$0x20];
	v10 =	vperm.xlane v1, v8;
	[tilespmem:s10+$0x30] =	vst v20;
	v20 =	vperm.xlane v0, v22  }
.LBB2_10:
0x133: {  	v22 =	vld [tilespmem:s13+$0x30];
	s12 =	sadd.s32 $0x8, s12;
	v2 =	vperm.xlane v0, v2;
	v7 =	vsub.f32 v12, v7;
	v4 =	vperm.xlane v0, v4  }
0x134: {  	v6 =	vperm.xlane v0, v6;
	v12 =	vld [tilespmem:s13+$0xFFFFFFD0];
	p0 =	slt.u32 s12, $0x3F8;
	v3 =	vsub.f32 v3, v21;
	v5 =	vsub.f32 v14, v5  }
0x135: {  	v8 =	vperm.xlane v0, v8;
	v13 =	vperm.xlane v0, v13;
	v14 =	vld [tilespmem:s13+$0xFFFFFFE0];
	v9 =	vsub.f32 v15, v9  }
0x136: {  	s10 =	sadd.s32 $0x80, s10;
	v18 =	vmul.f32 v19, v18;
	v15 =	vld [tilespmem:s13+$0xFFFFFFF0];
	v3 =	vmul.f32 v3, v20;
	v10 =	vsub.f32 v16, v10  }
0x137: {  	v2 =	vmul.f32 v7, v2;
	v4 =	vmul.f32 v5, v4;
	v16 =	vld [tilespmem:s10+$0x30];
	v5 =	vsub.f32 v17, v11  }
0x138: {  	v6 =	vmul.f32 v9, v6;
	v11 =	vld [tilespmem:s13+$0x0];
	v7 =	vadd.s32 $0xFFFFFFFF, v22;
	[tilespmem:s11+$0xFFFFFFC0] =	vst v3;
	v8 =	vmul.f32 v10, v8  }
0x139: {  	v3 =	vadd.s32 $0xFFFFFFFF, v12;
	v9 =	vld [tilespmem:s13+$0x10];
	v7 =	vand.u32 $0xF, v7;
	[tilespmem:s11+$0xFFFFFFD0] =	vst v18;
	v10 =	vmul.f32 v5, v13  }
0x13a: {  	v17 =	vand.u32 $0xF, v3;
	v3 =	vadd.s32 $0xFFFFFFFF, v14;
	v13 =	vld [tilespmem:s13+$0x20];
	v5 =	vperm.xlane v1, v7;
	[tilespmem:s11+$0xFFFFFFE0] =	vst v2  }
0x13b: {  	v18 =	vld [tilespmem:s13+$0xFFFFFFC0];
	v19 =	vperm.xlane v1, v17;
	v2 =	vand.u32 $0xF, v3;
	v12 =	vadd.s32 $0xFFFFFFFF, v15;
	[tilespmem:s11+$0xFFFFFFF0] =	vst v4  }
0x13c: {  	v14 =	vperm.xlane v0, v7;
	v3 =	vld [tilespmem:s10+$0xFFFFFFC0];
	v4 =	vand.u32 $0xF, v12;
	v15 =	vsub.f32 v16, v5;
	[tilespmem:s11+$0x0] =	vst v6  }
0x13d: {  	v7 =	vperm.xlane v1, v2;
	v22 =	vld [tilespmem:s10+$0xFFFFFFD0];
	v5 =	vperm.xlane v1, v4;
	v6 =	vadd.s32 $0xFFFFFFFF, v11;
	[tilespmem:s11+$0x10] =	vst v8  }
.Ltmp4:
0x13e: {  	v12 =	vld [tilespmem:s10+$0xFFFFFFE0];
	v6 =	vand.u32 $0xF, v6;
	v8 =	vadd.s32 $0xFFFFFFFF, v9;
	v11 =	vmul.f32 v15, v14;
	[tilespmem:s11+$0x20] =	vst v10;
	s11 =	smov.u32 s10;
	(pc) =	sbr.rel @p0 .LBB2_10-.Ltmp4, $4  }
0x13f: {  	v14 =	vld [tilespmem:s10+$0xFFFFFFF0];
	v9 =	vperm.xlane v1, v6;
	v8 =	vand.u32 $0xF, v8;
	v13 =	vadd.s32 $0xFFFFFFFF, v13  }
0x140: {  	v16 =	vadd.s32 $0xFFFFFFFF, v18;
	v15 =	vld [tilespmem:s10+$0x0];
	v10 =	vperm.xlane v1, v8;
	v13 =	vand.u32 $0xF, v13;
	[tilespmem:s10+$0x30] =	vst v11  }
0x141: {  	v18 =	vperm.xlane v0, v17;
	v20 =	vand.u32 $0xF, v16;
	v16 =	vld [tilespmem:s10+$0x10];
	v11 =	vperm.xlane v1, v13  }
0x142: {  	s13 =	sadd.s32 $0x80, s13;
	v21 =	vperm.xlane v1, v20;
	v20 =	vperm.xlane v0, v20;
	v19 =	vsub.f32 v22, v19;
	v17 =	vld [tilespmem:s10+$0x20]  }
0x143: {  	_ = 	snop  }
0x144: {  	v3 =	vsub.f32 v3, v21  }
0x145: {  	v2 =	vperm.xlane v0, v2;
	v7 =	vsub.f32 v12, v7;
	v12 =	vmul.f32 v19, v18  }
0x146: {  	v4 =	vperm.xlane v0, v4;
	v5 =	vsub.f32 v14, v5;
	v3 =	vmul.f32 v3, v20  }
0x147: {  	v6 =	vperm.xlane v0, v6;
	v9 =	vsub.f32 v15, v9;
	v2 =	vmul.f32 v7, v2;
	[tilespmem:s11+$0xFFFFFFD0] =	vst v12  }
0x148: {  	v7 =	vsub.f32 v16, v10;
	v4 =	vmul.f32 v5, v4;
	[tilespmem:s11+$0xFFFFFFC0] =	vst v3;
	v3 =	vperm.xlane v0, v8  }
0x149: {  	v5 =	vperm.xlane v0, v13;
	v6 =	vmul.f32 v9, v6;
	[tilespmem:s11+$0xFFFFFFE0] =	vst v2;
	v8 =	vsub.f32 v17, v11  }
0x14a: {  	[tilespmem:s11+$0xFFFFFFF0] =	vst v4;
	v2 =	vmul.f32 v7, v3  }
0x14b: {  	[tilespmem:s11+$0x0] =	vst v6;
	v3 =	vmul.f32 v8, v5  }
0x14c: {  	[tilespmem:s11+$0x10] =	vst v2  }
0x14d: {  	[tilespmem:s11+$0x20] =	vst v3  }
0x14e: {  	[hbm4b:s18+s1] =	stream.linear.scatter [tilespmem:s25], [sflag:$0x5], $0x4000, $0x38;
	[tilespmem:$0x18100] =	vst v63  }
0x14f: {  	_ =	swait.ge [sflag:s6], $0x4000  }
0x150: {  	[sflag:s6] =	ssyncset.done $0x0  }
0x151: {  	[sflag:s6] =	ssyncadd.s32 $0xFFFFC000  }
0x152: {  	[tilespmem:s25], [sflag:$0x2] =	stream.linear.gather [hbm4b:s19+s1], $0x4000, $0x38;
	[tilespmem:$0x18100] =	vst v63  }
0x153: {  	_ = 	snop  }
0x154: {  	[tilespmem:s31], [sflag:$0x2] =	stream.linear.gather [hbm4b:s24+s1], $0x4000, $0x38;
	[tilespmem:$0x18100] =	vst v63  }
0x155: {  	_ =	swait.ge [sflag:s7], $0x4000  }
0x156: {  	[sflag:s7] =	ssyncset.done $0x0  }
0x157: {  	[sflag:s7] =	ssyncadd.s32 $0xFFFFC000  }
0x158: {  	_ =	swait.ge [sflag:s7], $0x4000  }
0x159: {  	[sflag:s7] =	ssyncset.done $0x0  }
0x15a: {  	s13 =	simm.s32 $0x14040;
	[sflag:s7] =	ssyncadd.s32 $0xFFFFC000  }
0x15b: {  	v2 =	vld [tilespmem:s13+$0x30]  }
0x15c: {  	v3 =	vld [tilespmem:s13+$0xFFFFFFD0]  }
0x15d: {  	v4 =	vld [tilespmem:s13+$0xFFFFFFE0]  }
0x15e: {  	v10 =	vld [tilespmem:s13+$0x20]  }
0x15f: {  	v13 =	vld [tilespmem:s13+$0xFFFFFFC0]  }
0x160: {  	v5 =	vld [tilespmem:s13+$0xFFFFFFF0]  }
0x161: {  	s10 =	simm.s32 $0x8040  }
0x162: {  	v6 =	vld [tilespmem:s10+$0x30]  }
0x163: {  	v2 =	vadd.s32 $0xFFFFFFFF, v2;
	v3 =	vadd.s32 $0xFFFFFFFF, v3;
	v16 =	vadd.s32 $0xFFFFFFFF, v10  }
0x164: {  	v8 =	vld [tilespmem:s13+$0x0];
	v18 =	vadd.s32 $0xFFFFFFFF, v13;
	v7 =	vand.u32 $0xF, v2;
	v11 =	vand.u32 $0xF, v3  }
0x165: {  	v9 =	vld [tilespmem:s13+$0x10];
	v2 =	vadd.s32 $0xFFFFFFFF, v4;
	v4 =	vadd.s32 $0xFFFFFFFF, v5;
	v12 =	vperm.xlane v1, v7  }
0x166: {  	v19 =	vld [tilespmem:s10+$0xFFFFFFD0];
	v13 =	vand.u32 $0xF, v16;
	v22 =	vand.u32 $0xF, v18;
	v17 =	vperm.xlane v1, v11  }
0x167: {  	v3 =	vld [tilespmem:s10+$0xFFFFFFC0];
	v2 =	vand.u32 $0xF, v2;
	v14 =	vperm.xlane v0, v7;
	v15 =	vsub.f32 v6, v12  }
0x168: {  	v4 =	vand.u32 $0xF, v4;
	v18 =	vperm.xlane v0, v11;
	v11 =	vperm.xlane v1, v13;
	v12 =	vld [tilespmem:s10+$0xFFFFFFE0]  }
0x169: {  	v21 =	vperm.xlane v1, v22;
	v6 =	vadd.s32 $0xFFFFFFFF, v8;
	v20 =	vmul.f32 v15, v14;
	v14 =	vld [tilespmem:s10+$0xFFFFFFF0]  }
0x16a: {  	v7 =	vperm.xlane v1, v2;
	v8 =	vadd.s32 $0xFFFFFFFF, v9;
	v6 =	vand.u32 $0xF, v6;
	v15 =	vld [tilespmem:s10+$0x0]  }
0x16b: {  	v16 =	vld [tilespmem:s10+$0x10];
	v5 =	vperm.xlane v1, v4;
	v8 =	vand.u32 $0xF, v8;
	v9 =	vperm.xlane v1, v6  }
0x16c: {  	s12 =	simm.s32 $0x0;
	s11 =	simm.s32 $0x8040;
	s13 =	simm.s32 $0x140C0;
	v19 =	vsub.f32 v19, v17;
	v17 =	vld [tilespmem:s10+$0x20];
	v10 =	vperm.xlane v1, v8;
	[tilespmem:s10+$0x30] =	vst v20;
	v20 =	vperm.xlane v0, v22  }
.LBB2_12:
0x16d: {  	v22 =	vld [tilespmem:s13+$0x30];
	s12 =	sadd.s32 $0x8, s12;
	v2 =	vperm.xlane v0, v2;
	v7 =	vsub.f32 v12, v7;
	v4 =	vperm.xlane v0, v4  }
0x16e: {  	v6 =	vperm.xlane v0, v6;
	v12 =	vld [tilespmem:s13+$0xFFFFFFD0];
	p0 =	slt.u32 s12, $0x3F8;
	v3 =	vsub.f32 v3, v21;
	v5 =	vsub.f32 v14, v5  }
0x16f: {  	v8 =	vperm.xlane v0, v8;
	v13 =	vperm.xlane v0, v13;
	v14 =	vld [tilespmem:s13+$0xFFFFFFE0];
	v9 =	vsub.f32 v15, v9  }
0x170: {  	s10 =	sadd.s32 $0x80, s10;
	v18 =	vmul.f32 v19, v18;
	v15 =	vld [tilespmem:s13+$0xFFFFFFF0];
	v3 =	vmul.f32 v3, v20;
	v10 =	vsub.f32 v16, v10  }
0x171: {  	v2 =	vmul.f32 v7, v2;
	v4 =	vmul.f32 v5, v4;
	v16 =	vld [tilespmem:s10+$0x30];
	v5 =	vsub.f32 v17, v11  }
0x172: {  	v6 =	vmul.f32 v9, v6;
	v11 =	vld [tilespmem:s13+$0x0];
	v7 =	vadd.s32 $0xFFFFFFFF, v22;
	[tilespmem:s11+$0xFFFFFFC0] =	vst v3;
	v8 =	vmul.f32 v10, v8  }
0x173: {  	v3 =	vadd.s32 $0xFFFFFFFF, v12;
	v9 =	vld [tilespmem:s13+$0x10];
	v7 =	vand.u32 $0xF, v7;
	[tilespmem:s11+$0xFFFFFFD0] =	vst v18;
	v10 =	vmul.f32 v5, v13  }
0x174: {  	v17 =	vand.u32 $0xF, v3;
	v3 =	vadd.s32 $0xFFFFFFFF, v14;
	v13 =	vld [tilespmem:s13+$0x20];
	v5 =	vperm.xlane v1, v7;
	[tilespmem:s11+$0xFFFFFFE0] =	vst v2  }
0x175: {  	v18 =	vld [tilespmem:s13+$0xFFFFFFC0];
	v19 =	vperm.xlane v1, v17;
	v2 =	vand.u32 $0xF, v3;
	v12 =	vadd.s32 $0xFFFFFFFF, v15;
	[tilespmem:s11+$0xFFFFFFF0] =	vst v4  }
0x176: {  	v14 =	vperm.xlane v0, v7;
	v3 =	vld [tilespmem:s10+$0xFFFFFFC0];
	v4 =	vand.u32 $0xF, v12;
	v15 =	vsub.f32 v16, v5;
	[tilespmem:s11+$0x0] =	vst v6  }
0x177: {  	v7 =	vperm.xlane v1, v2;
	v22 =	vld [tilespmem:s10+$0xFFFFFFD0];
	v5 =	vperm.xlane v1, v4;
	v6 =	vadd.s32 $0xFFFFFFFF, v11;
	[tilespmem:s11+$0x10] =	vst v8  }
.Ltmp5:
0x178: {  	v12 =	vld [tilespmem:s10+$0xFFFFFFE0];
	v6 =	vand.u32 $0xF, v6;
	v8 =	vadd.s32 $0xFFFFFFFF, v9;
	v11 =	vmul.f32 v15, v14;
	[tilespmem:s11+$0x20] =	vst v10;
	s11 =	smov.u32 s10;
	(pc) =	sbr.rel @p0 .LBB2_12-.Ltmp5, $4  }
0x179: {  	v14 =	vld [tilespmem:s10+$0xFFFFFFF0];
	v9 =	vperm.xlane v1, v6;
	v8 =	vand.u32 $0xF, v8;
	v13 =	vadd.s32 $0xFFFFFFFF, v13  }
0x17a: {  	v16 =	vadd.s32 $0xFFFFFFFF, v18;
	v15 =	vld [tilespmem:s10+$0x0];
	v10 =	vperm.xlane v1, v8;
	v13 =	vand.u32 $0xF, v13;
	[tilespmem:s10+$0x30] =	vst v11  }
0x17b: {  	v18 =	vperm.xlane v0, v17;
	v20 =	vand.u32 $0xF, v16;
	v16 =	vld [tilespmem:s10+$0x10];
	v11 =	vperm.xlane v1, v13  }
0x17c: {  	s13 =	sadd.s32 $0x80, s13;
	v21 =	vperm.xlane v1, v20;
	v20 =	vperm.xlane v0, v20;
	v19 =	vsub.f32 v22, v19;
	v17 =	vld [tilespmem:s10+$0x20]  }
0x17d: {  	_ = 	snop  }
0x17e: {  	v3 =	vsub.f32 v3, v21  }
0x17f: {  	v2 =	vperm.xlane v0, v2;
	v7 =	vsub.f32 v12, v7;
	v12 =	vmul.f32 v19, v18  }
0x180: {  	v4 =	vperm.xlane v0, v4;
	v5 =	vsub.f32 v14, v5;
	v3 =	vmul.f32 v3, v20  }
0x181: {  	v6 =	vperm.xlane v0, v6;
	v9 =	vsub.f32 v15, v9;
	v2 =	vmul.f32 v7, v2;
	[tilespmem:s11+$0xFFFFFFD0] =	vst v12  }
0x182: {  	v7 =	vsub.f32 v16, v10;
	v4 =	vmul.f32 v5, v4;
	[tilespmem:s11+$0xFFFFFFC0] =	vst v3;
	v3 =	vperm.xlane v0, v8  }
0x183: {  	v5 =	vperm.xlane v0, v13;
	v6 =	vmul.f32 v9, v6;
	[tilespmem:s11+$0xFFFFFFE0] =	vst v2;
	v8 =	vsub.f32 v17, v11  }
0x184: {  	[tilespmem:s11+$0xFFFFFFF0] =	vst v4;
	v2 =	vmul.f32 v7, v3  }
0x185: {  	[tilespmem:s11+$0x0] =	vst v6;
	v3 =	vmul.f32 v8, v5  }
0x186: {  	[tilespmem:s11+$0x10] =	vst v2  }
0x187: {  	[tilespmem:s11+$0x20] =	vst v3  }
0x188: {  	[hbm4b:s26+s1] =	stream.linear.scatter [tilespmem:s0], [sflag:$0x6], $0x4000, $0x38;
	[tilespmem:$0x18100] =	vst v63  }
0x189: {  	_ =	swait.ge [sflag:s3], $0x4000  }
0x18a: {  	[sflag:s3] =	ssyncset.done $0x0  }
0x18b: {  	[sflag:s3] =	ssyncadd.s32 $0xFFFFC000  }
0x18c: {  	_ =	swait.ge [sflag:s3], $0x4000  }
0x18d: {  	[sflag:s3] =	ssyncset.done $0x0  }
0x18e: {  	s13 =	simm.s32 $0xC040;
	[sflag:s3] =	ssyncadd.s32 $0xFFFFC000  }
0x18f: {  	v2 =	vld [tilespmem:s13+$0x30]  }
0x190: {  	v3 =	vld [tilespmem:s13+$0xFFFFFFD0]  }
0x191: {  	v4 =	vld [tilespmem:s13+$0xFFFFFFE0]  }
0x192: {  	v10 =	vld [tilespmem:s13+$0x20]  }
0x193: {  	v13 =	vld [tilespmem:s13+$0xFFFFFFC0]  }
0x194: {  	v5 =	vld [tilespmem:s13+$0xFFFFFFF0]  }
0x195: {  	s10 =	simm.s32 $0x40  }
0x196: {  	v6 =	vld [tilespmem:s10+$0x30]  }
0x197: {  	v2 =	vadd.s32 $0xFFFFFFFF, v2;
	v3 =	vadd.s32 $0xFFFFFFFF, v3;
	v16 =	vadd.s32 $0xFFFFFFFF, v10  }
0x198: {  	v8 =	vld [tilespmem:s13+$0x0];
	v18 =	vadd.s32 $0xFFFFFFFF, v13;
	v7 =	vand.u32 $0xF, v2;
	v11 =	vand.u32 $0xF, v3  }
0x199: {  	v9 =	vld [tilespmem:s13+$0x10];
	v2 =	vadd.s32 $0xFFFFFFFF, v4;
	v4 =	vadd.s32 $0xFFFFFFFF, v5;
	v12 =	vperm.xlane v1, v7  }
0x19a: {  	v19 =	vld [tilespmem:s10+$0xFFFFFFD0];
	v13 =	vand.u32 $0xF, v16;
	v22 =	vand.u32 $0xF, v18;
	v17 =	vperm.xlane v1, v11  }
0x19b: {  	v3 =	vld [tilespmem:s10+$0xFFFFFFC0];
	v2 =	vand.u32 $0xF, v2;
	v14 =	vperm.xlane v0, v7;
	v15 =	vsub.f32 v6, v12  }
0x19c: {  	v4 =	vand.u32 $0xF, v4;
	v18 =	vperm.xlane v0, v11;
	v11 =	vperm.xlane v1, v13;
	v12 =	vld [tilespmem:s10+$0xFFFFFFE0]  }
0x19d: {  	v21 =	vperm.xlane v1, v22;
	v6 =	vadd.s32 $0xFFFFFFFF, v8;
	v20 =	vmul.f32 v15, v14;
	v14 =	vld [tilespmem:s10+$0xFFFFFFF0]  }
0x19e: {  	v7 =	vperm.xlane v1, v2;
	v8 =	vadd.s32 $0xFFFFFFFF, v9;
	v6 =	vand.u32 $0xF, v6;
	v15 =	vld [tilespmem:s10+$0x0]  }
0x19f: {  	v16 =	vld [tilespmem:s10+$0x10];
	v5 =	vperm.xlane v1, v4;
	v8 =	vand.u32 $0xF, v8;
	v9 =	vperm.xlane v1, v6  }
0x1a0: {  	s12 =	simm.s32 $0x0;
	s11 =	simm.s32 $0x40;
	s13 =	simm.s32 $0xC0C0;
	v19 =	vsub.f32 v19, v17;
	v17 =	vld [tilespmem:s10+$0x20];
	v10 =	vperm.xlane v1, v8;
	[tilespmem:s10+$0x30] =	vst v20;
	v20 =	vperm.xlane v0, v22  }
.LBB2_14:
0x1a1: {  	v22 =	vld [tilespmem:s13+$0x30];
	s12 =	sadd.s32 $0x8, s12;
	v2 =	vperm.xlane v0, v2;
	v7 =	vsub.f32 v12, v7;
	v4 =	vperm.xlane v0, v4  }
0x1a2: {  	v6 =	vperm.xlane v0, v6;
	v12 =	vld [tilespmem:s13+$0xFFFFFFD0];
	p0 =	slt.u32 s12, $0x3F8;
	v3 =	vsub.f32 v3, v21;
	v5 =	vsub.f32 v14, v5  }
0x1a3: {  	v8 =	vperm.xlane v0, v8;
	v13 =	vperm.xlane v0, v13;
	v14 =	vld [tilespmem:s13+$0xFFFFFFE0];
	v9 =	vsub.f32 v15, v9  }
0x1a4: {  	s10 =	sadd.s32 $0x80, s10;
	v18 =	vmul.f32 v19, v18;
	v15 =	vld [tilespmem:s13+$0xFFFFFFF0];
	v3 =	vmul.f32 v3, v20;
	v10 =	vsub.f32 v16, v10  }
0x1a5: {  	v2 =	vmul.f32 v7, v2;
	v4 =	vmul.f32 v5, v4;
	v16 =	vld [tilespmem:s10+$0x30];
	v5 =	vsub.f32 v17, v11  }
0x1a6: {  	v6 =	vmul.f32 v9, v6;
	v11 =	vld [tilespmem:s13+$0x0];
	v7 =	vadd.s32 $0xFFFFFFFF, v22;
	[tilespmem:s11+$0xFFFFFFC0] =	vst v3;
	v8 =	vmul.f32 v10, v8  }
0x1a7: {  	v3 =	vadd.s32 $0xFFFFFFFF, v12;
	v9 =	vld [tilespmem:s13+$0x10];
	v7 =	vand.u32 $0xF, v7;
	[tilespmem:s11+$0xFFFFFFD0] =	vst v18;
	v10 =	vmul.f32 v5, v13  }
0x1a8: {  	v17 =	vand.u32 $0xF, v3;
	v3 =	vadd.s32 $0xFFFFFFFF, v14;
	v13 =	vld [tilespmem:s13+$0x20];
	v5 =	vperm.xlane v1, v7;
	[tilespmem:s11+$0xFFFFFFE0] =	vst v2  }
0x1a9: {  	v18 =	vld [tilespmem:s13+$0xFFFFFFC0];
	v19 =	vperm.xlane v1, v17;
	v2 =	vand.u32 $0xF, v3;
	v12 =	vadd.s32 $0xFFFFFFFF, v15;
	[tilespmem:s11+$0xFFFFFFF0] =	vst v4  }
0x1aa: {  	v14 =	vperm.xlane v0, v7;
	v3 =	vld [tilespmem:s10+$0xFFFFFFC0];
	v4 =	vand.u32 $0xF, v12;
	v15 =	vsub.f32 v16, v5;
	[tilespmem:s11+$0x0] =	vst v6  }
0x1ab: {  	v7 =	vperm.xlane v1, v2;
	v22 =	vld [tilespmem:s10+$0xFFFFFFD0];
	v5 =	vperm.xlane v1, v4;
	v6 =	vadd.s32 $0xFFFFFFFF, v11;
	[tilespmem:s11+$0x10] =	vst v8  }
.Ltmp6:
0x1ac: {  	v12 =	vld [tilespmem:s10+$0xFFFFFFE0];
	v6 =	vand.u32 $0xF, v6;
	v8 =	vadd.s32 $0xFFFFFFFF, v9;
	v11 =	vmul.f32 v15, v14;
	[tilespmem:s11+$0x20] =	vst v10;
	s11 =	smov.u32 s10;
	(pc) =	sbr.rel @p0 .LBB2_14-.Ltmp6, $4  }
0x1ad: {  	v14 =	vld [tilespmem:s10+$0xFFFFFFF0];
	v9 =	vperm.xlane v1, v6;
	v8 =	vand.u32 $0xF, v8;
	v13 =	vadd.s32 $0xFFFFFFFF, v13  }
0x1ae: {  	v16 =	vadd.s32 $0xFFFFFFFF, v18;
	v15 =	vld [tilespmem:s10+$0x0];
	v10 =	vperm.xlane v1, v8;
	v13 =	vand.u32 $0xF, v13;
	[tilespmem:s10+$0x30] =	vst v11  }
0x1af: {  	v18 =	vperm.xlane v0, v17;
	v20 =	vand.u32 $0xF, v16;
	v16 =	vld [tilespmem:s10+$0x10];
	v11 =	vperm.xlane v1, v13  }
0x1b0: {  	s13 =	sadd.s32 $0x80, s13;
	v21 =	vperm.xlane v1, v20;
	v20 =	vperm.xlane v0, v20;
	v19 =	vsub.f32 v22, v19;
	v17 =	vld [tilespmem:s10+$0x20]  }
0x1b1: {  	_ = 	snop  }
0x1b2: {  	v3 =	vsub.f32 v3, v21  }
0x1b3: {  	v2 =	vperm.xlane v0, v2;
	v7 =	vsub.f32 v12, v7;
	v12 =	vmul.f32 v19, v18  }
0x1b4: {  	v4 =	vperm.xlane v0, v4;
	v5 =	vsub.f32 v14, v5;
	v3 =	vmul.f32 v3, v20  }
0x1b5: {  	v6 =	vperm.xlane v0, v6;
	v9 =	vsub.f32 v15, v9;
	v2 =	vmul.f32 v7, v2;
	[tilespmem:s11+$0xFFFFFFD0] =	vst v12  }
0x1b6: {  	v7 =	vsub.f32 v16, v10;
	v4 =	vmul.f32 v5, v4;
	[tilespmem:s11+$0xFFFFFFC0] =	vst v3;
	v3 =	vperm.xlane v0, v8  }
0x1b7: {  	v5 =	vperm.xlane v0, v13;
	v6 =	vmul.f32 v9, v6;
	[tilespmem:s11+$0xFFFFFFE0] =	vst v2;
	v8 =	vsub.f32 v17, v11  }
0x1b8: {  	[tilespmem:s11+$0xFFFFFFF0] =	vst v4;
	v2 =	vmul.f32 v7, v3  }
0x1b9: {  	[tilespmem:s11+$0x0] =	vst v6;
	v3 =	vmul.f32 v8, v5  }
0x1ba: {  	[tilespmem:s11+$0x10] =	vst v2  }
0x1bb: {  	[tilespmem:s11+$0x20] =	vst v3  }
0x1bc: {  	[hbm4b:s28+s1] =	stream.linear.scatter [tilespmem:s1], [sflag:$0x4], $0x4000, $0x38;
	[tilespmem:$0x18100] =	vst v63  }
0x1bd: {  	_ =	swait.ge [sflag:s5], $0x4000  }
0x1be: {  	[sflag:s5] =	ssyncset.done $0x0  }
0x1bf: {  	[sflag:s5] =	ssyncadd.s32 $0xFFFFC000  }
0x1c0: {  	_ =	swait.ge [sflag:s5], $0x4000  }
0x1c1: {  	[sflag:s5] =	ssyncset.done $0x0  }
0x1c2: {  	s13 =	simm.s32 $0x10040;
	[sflag:s5] =	ssyncadd.s32 $0xFFFFC000  }
0x1c3: {  	v2 =	vld [tilespmem:s13+$0x30]  }
0x1c4: {  	v3 =	vld [tilespmem:s13+$0xFFFFFFD0]  }
0x1c5: {  	v4 =	vld [tilespmem:s13+$0xFFFFFFE0]  }
0x1c6: {  	v10 =	vld [tilespmem:s13+$0x20]  }
0x1c7: {  	v13 =	vld [tilespmem:s13+$0xFFFFFFC0]  }
0x1c8: {  	v5 =	vld [tilespmem:s13+$0xFFFFFFF0]  }
0x1c9: {  	s10 =	simm.s32 $0x4040  }
0x1ca: {  	v6 =	vld [tilespmem:s10+$0x30]  }
0x1cb: {  	v2 =	vadd.s32 $0xFFFFFFFF, v2;
	v3 =	vadd.s32 $0xFFFFFFFF, v3;
	v16 =	vadd.s32 $0xFFFFFFFF, v10  }
0x1cc: {  	v8 =	vld [tilespmem:s13+$0x0];
	v18 =	vadd.s32 $0xFFFFFFFF, v13;
	v7 =	vand.u32 $0xF, v2;
	v11 =	vand.u32 $0xF, v3  }
0x1cd: {  	v9 =	vld [tilespmem:s13+$0x10];
	v2 =	vadd.s32 $0xFFFFFFFF, v4;
	v4 =	vadd.s32 $0xFFFFFFFF, v5;
	v12 =	vperm.xlane v1, v7  }
0x1ce: {  	v19 =	vld [tilespmem:s10+$0xFFFFFFD0];
	v13 =	vand.u32 $0xF, v16;
	v22 =	vand.u32 $0xF, v18;
	v17 =	vperm.xlane v1, v11  }
0x1cf: {  	v3 =	vld [tilespmem:s10+$0xFFFFFFC0];
	v2 =	vand.u32 $0xF, v2;
	v14 =	vperm.xlane v0, v7;
	v15 =	vsub.f32 v6, v12  }
0x1d0: {  	v4 =	vand.u32 $0xF, v4;
	v18 =	vperm.xlane v0, v11;
	v11 =	vperm.xlane v1, v13;
	v12 =	vld [tilespmem:s10+$0xFFFFFFE0]  }
0x1d1: {  	v21 =	vperm.xlane v1, v22;
	v6 =	vadd.s32 $0xFFFFFFFF, v8;
	v20 =	vmul.f32 v15, v14;
	v14 =	vld [tilespmem:s10+$0xFFFFFFF0]  }
0x1d2: {  	v7 =	vperm.xlane v1, v2;
	v8 =	vadd.s32 $0xFFFFFFFF, v9;
	v6 =	vand.u32 $0xF, v6;
	v15 =	vld [tilespmem:s10+$0x0]  }
0x1d3: {  	v16 =	vld [tilespmem:s10+$0x10];
	v5 =	vperm.xlane v1, v4;
	v8 =	vand.u32 $0xF, v8;
	v9 =	vperm.xlane v1, v6  }
0x1d4: {  	s12 =	simm.s32 $0x0;
	s11 =	simm.s32 $0x4040;
	s13 =	simm.s32 $0x100C0;
	v19 =	vsub.f32 v19, v17;
	v17 =	vld [tilespmem:s10+$0x20];
	v10 =	vperm.xlane v1, v8;
	[tilespmem:s10+$0x30] =	vst v20;
	v20 =	vperm.xlane v0, v22  }
.LBB2_16:
0x1d5: {  	v22 =	vld [tilespmem:s13+$0x30];
	s12 =	sadd.s32 $0x8, s12;
	v2 =	vperm.xlane v0, v2;
	v7 =	vsub.f32 v12, v7;
	v4 =	vperm.xlane v0, v4  }
0x1d6: {  	v6 =	vperm.xlane v0, v6;
	v12 =	vld [tilespmem:s13+$0xFFFFFFD0];
	p0 =	slt.u32 s12, $0x3F8;
	v3 =	vsub.f32 v3, v21;
	v5 =	vsub.f32 v14, v5  }
0x1d7: {  	v8 =	vperm.xlane v0, v8;
	v13 =	vperm.xlane v0, v13;
	v14 =	vld [tilespmem:s13+$0xFFFFFFE0];
	v9 =	vsub.f32 v15, v9  }
0x1d8: {  	s10 =	sadd.s32 $0x80, s10;
	v18 =	vmul.f32 v19, v18;
	v15 =	vld [tilespmem:s13+$0xFFFFFFF0];
	v3 =	vmul.f32 v3, v20;
	v10 =	vsub.f32 v16, v10  }
0x1d9: {  	v2 =	vmul.f32 v7, v2;
	v4 =	vmul.f32 v5, v4;
	v16 =	vld [tilespmem:s10+$0x30];
	v5 =	vsub.f32 v17, v11  }
0x1da: {  	v6 =	vmul.f32 v9, v6;
	v11 =	vld [tilespmem:s13+$0x0];
	v7 =	vadd.s32 $0xFFFFFFFF, v22;
	[tilespmem:s11+$0xFFFFFFC0] =	vst v3;
	v8 =	vmul.f32 v10, v8  }
0x1db: {  	v3 =	vadd.s32 $0xFFFFFFFF, v12;
	v9 =	vld [tilespmem:s13+$0x10];
	v7 =	vand.u32 $0xF, v7;
	[tilespmem:s11+$0xFFFFFFD0] =	vst v18;
	v10 =	vmul.f32 v5, v13  }
0x1dc: {  	v17 =	vand.u32 $0xF, v3;
	v3 =	vadd.s32 $0xFFFFFFFF, v14;
	v13 =	vld [tilespmem:s13+$0x20];
	v5 =	vperm.xlane v1, v7;
	[tilespmem:s11+$0xFFFFFFE0] =	vst v2  }
0x1dd: {  	v18 =	vld [tilespmem:s13+$0xFFFFFFC0];
	v19 =	vperm.xlane v1, v17;
	v2 =	vand.u32 $0xF, v3;
	v12 =	vadd.s32 $0xFFFFFFFF, v15;
	[tilespmem:s11+$0xFFFFFFF0] =	vst v4  }
0x1de: {  	v14 =	vperm.xlane v0, v7;
	v3 =	vld [tilespmem:s10+$0xFFFFFFC0];
	v4 =	vand.u32 $0xF, v12;
	v15 =	vsub.f32 v16, v5;
	[tilespmem:s11+$0x0] =	vst v6  }
0x1df: {  	v7 =	vperm.xlane v1, v2;
	v22 =	vld [tilespmem:s10+$0xFFFFFFD0];
	v5 =	vperm.xlane v1, v4;
	v6 =	vadd.s32 $0xFFFFFFFF, v11;
	[tilespmem:s11+$0x10] =	vst v8  }
.Ltmp7:
0x1e0: {  	v12 =	vld [tilespmem:s10+$0xFFFFFFE0];
	v6 =	vand.u32 $0xF, v6;
	v8 =	vadd.s32 $0xFFFFFFFF, v9;
	v11 =	vmul.f32 v15, v14;
	[tilespmem:s11+$0x20] =	vst v10;
	s11 =	smov.u32 s10;
	(pc) =	sbr.rel @p0 .LBB2_16-.Ltmp7, $4  }
0x1e1: {  	v14 =	vld [tilespmem:s10+$0xFFFFFFF0];
	v9 =	vperm.xlane v1, v6;
	v8 =	vand.u32 $0xF, v8;
	v13 =	vadd.s32 $0xFFFFFFFF, v13  }
0x1e2: {  	v16 =	vadd.s32 $0xFFFFFFFF, v18;
	v15 =	vld [tilespmem:s10+$0x0];
	v10 =	vperm.xlane v1, v8;
	v13 =	vand.u32 $0xF, v13;
	[tilespmem:s10+$0x30] =	vst v11  }
0x1e3: {  	v18 =	vperm.xlane v0, v17;
	v20 =	vand.u32 $0xF, v16;
	v16 =	vld [tilespmem:s10+$0x10];
	v11 =	vperm.xlane v1, v13  }
0x1e4: {  	s13 =	sadd.s32 $0x80, s13;
	v21 =	vperm.xlane v1, v20;
	v20 =	vperm.xlane v0, v20;
	v19 =	vsub.f32 v22, v19;
	v17 =	vld [tilespmem:s10+$0x20]  }
0x1e5: {  	v2 =	vperm.xlane v0, v2;
	v58 =	vsub.f32 v12, v7  }
0x1e6: {  	v1 =	vsub.f32 v3, v21;
	v59 =	vmul.f32 v19, v18  }
0x1e7: {  	v4 =	vperm.xlane v0, v4;
	v5 =	vsub.f32 v14, v5;
	v2 =	vmul.f32 v58, v2  }
0x1e8: {  	v6 =	vperm.xlane v0, v6;
	v9 =	vsub.f32 v15, v9;
	v1 =	vmul.f32 v1, v20;
	[tilespmem:s11+$0xFFFFFFD0] =	vst v59  }
0x1e9: {  	v60 =	vperm.xlane v0, v8;
	v61 =	vsub.f32 v16, v10;
	v4 =	vmul.f32 v5, v4;
	[tilespmem:s11+$0xFFFFFFE0] =	vst v2  }
0x1ea: {  	v62 =	vperm.xlane v0, v13;
	v63 =	vsub.f32 v17, v11;
	v6 =	vmul.f32 v9, v6;
	[tilespmem:s11+$0xFFFFFFC0] =	vst v1  }
0x1eb: {  	v1 =	vmul.f32 v61, v60;
	[tilespmem:s11+$0xFFFFFFF0] =	vst v4  }
0x1ec: {  	v0 =	vmul.f32 v63, v62;
	[tilespmem:s11+$0x0] =	vst v6  }
0x1ed: {  	[tilespmem:s11+$0x10] =	vst v1  }
0x1ee: {  	[tilespmem:s11+$0x20] =	vst v0  }
0x1ef: {  	[hbm4b:s29+s1] =	stream.linear.scatter [tilespmem:s25], [sflag:$0x5], $0x4000, $0x38;
	[tilespmem:$0x18100] =	vst v63  }
0x1f0: {  	_ =	swait.ge [sflag:s8], $0x4000  }
0x1f1: {  	[sflag:s8] =	ssyncset.done $0x0  }
0x1f2: {  	s9 =	sadd.s32 $0x1, s9;
	[sflag:s8] =	ssyncadd.s32 $0xFFFFC000  }
0x1f3: {  	p0 =	sne.s32 s9, s30;
	_ =	swait.ge [sflag:s4], $0x4000  }
.Ltmp8:
0x1f4: {  	[sflag:s4] =	ssyncset.done $0x0;
	(pc) =	sbr.rel @p0 .LBB2_1-.Ltmp8, $4  }
0x1f5: {  	[sflag:s4] =	ssyncadd.s32 $0xFFFFC000  }
0x1f6: {  	_ =	swait.ge [sflag:s6], $0x4000  }
0x1f7: {  	[sflag:s6] =	ssyncset.done $0x0  }
0x1f8: {  	[sflag:s6] =	ssyncadd.s32 $0xFFFFC000  }
0x1f9: {  	_ =	sfence.sel $0x180000  }
0x1fa: {  	[bflag:$0x0] =	sbarrier.arrive $0xFFFF  }
0x1fb: {  	_ =	strace $0x90000047  }
0x1fc: {  	s0 =	stileid.u32;
	[bflag:$0x2] =	sbarrier.arrive $0xFFFF  }
0x1fd: {  	p0 =	sne.s32 s0, $0x0;
	s0 =	rddreg [dreg:$0x5]  }
0x1fe: {  	s0 =	sadd.s32 @!p0 $0x100000, s0  }
0x1ff: {  	[sflag:s0] =	ssyncadd.tile.s32 @!p0 $0x1;
	_ =	shalt  }
.Lfunc_end2:
_tile_overlayer_lowered:
.L_overlay_start_2:
0x200: {  	(tag) =	ssettag $0x2  }
0x201: {  	s0 =	rddreg [dreg:$0x0];
	s2 =	stileid.u32  }
0x202: {  	s1 =	rddreg [dreg:$0x1];
	p0 =	sne.s32 s2, $0x0  }
0x203: {  	s3 =	rddreg [dreg:$0x2];
	[bflag:$0x3] =	sbarrier.arrive $0xFFFF;
	s2 =	simm.s32 @!p0 $0x1C07  }
0x204: {  	[timem:s3], [sflag:s2] =	dma.local @!p0 [hbm:s0], s1  }
0x205: {  	s0 =	simm.s32 @!p0 $0x7  }
0x206: {  	_ =	swait.ge @!p0 [sflag:s0], s1  }
0x207: {  	s1 =	ssub.s32 @!p0 $0x0, s1;
	[sflag:s0] =	ssyncset.done @!p0 $0x0  }
0x208: {  	[sflag:s0] =	ssyncadd.s32 @!p0 s1  }
0x209: {  	[bflag:$0x3] =	sbarrier.arrive $0xFFFF  }
0x20a: {  	_ =	shalt  }

</sc_bundles>
